<compile_context>
chip_gen: v7x
topology: tpu7x:2x2x1
jax: 0.10.2.dev20260603
libtpu: 0.0.44.dev20260713+nightly
codegen_flags: <defaults>
</compile_context>

<pallas_src>
import functools

import jax
import jax.numpy as jnp
from jax import lax
from jax.experimental import pallas as pl
from jax.experimental.pallas import tpu as pltpu
from jax.experimental.pallas import tpu_sc as plsc

B = 64
DM = 1024
VOCAB_N = 100000
K = 50
GW = 128
VC = 2048
NSTEP = 49
VPAD = NSTEP * VC
NG = VPAD // GW
GPS = VC // GW
BIGI = 2**30


def _sc_gather_rows(table, idxs, rows_per_worker, workers):
    info = plsc.get_sparse_core_info()
    nc = info.num_cores
    n, w = idxs.shape[0], table.shape[1]
    assert n == rows_per_worker * workers and rows_per_worker % 8 == 0
    mesh = plsc.VectorSubcoreMesh(core_axis_name="c", subcore_axis_name="s")

    @functools.partial(
        pl.kernel,
        mesh=mesh,
        out_type=jax.ShapeDtypeStruct((n, w), jnp.float32),
        scratch_types=[
            pltpu.VMEM((rows_per_worker,), jnp.int32),
            pltpu.VMEM((rows_per_worker, w), jnp.float32),
            pltpu.SemaphoreType.DMA,
        ],
    )
    def k(table_hbm, idx_hbm, out_hbm, idx_v, rows_v, sem):
        wid = lax.axis_index("s") * nc + lax.axis_index("c")

        @pl.when(wid < workers)
        def _():
            base = wid * rows_per_worker
            pltpu.sync_copy(idx_hbm.at[pl.ds(base, rows_per_worker)], idx_v)
            pltpu.async_copy(table_hbm.at[idx_v], rows_v, sem).wait()
            pltpu.sync_copy(rows_v, out_hbm.at[pl.ds(base, rows_per_worker)])

    return k(table, idxs)


def _matmul_select(x, head):

    def body(x_ref, h_ref, logits_ref, topgf_ref, gm_ref):
        j = pl.program_id(0)
        lg = jnp.dot(x_ref[...], h_ref[...],
                     preferred_element_type=jnp.float32)
        logits_ref[...] = lg
        col = lax.broadcasted_iota(jnp.int32, (B, VC), 1) + j * VC
        lgm = jnp.where(col < VOCAB_N, lg, -jnp.inf)
        gmax = jnp.max(lgm.reshape(B, GPS, GW), axis=-1)
        gm_ref[pl.ds(j * GPS, GPS), :] = gmax.T

        @pl.when(j == NSTEP - 1)
        def _():
            gidv = lax.broadcasted_iota(jnp.int32, (NG, B), 0)
            klane = lax.broadcasted_iota(jnp.int32, (B, K), 1)

            def sel(k, carry):
                gm, topg = carry
                m = jnp.max(gm, axis=0, keepdims=True)
                gid = jnp.min(jnp.where(gm == m, gidv, BIGI), axis=0)
                topg = jnp.where(klane == k, gid[:, None], topg)
                gm = jnp.where(gidv == gid[None, :], -jnp.inf, gm)
                return gm, topg

            _, topg = lax.fori_loop(
                0, K, sel,
                (gm_ref[...], jnp.zeros((B, K), jnp.int32)))
            row = lax.broadcasted_iota(jnp.int32, (B, K), 0)
            topgf_ref[...] = topg + row * NG

    return pl.pallas_call(
        body,
        grid=(NSTEP,),
        in_specs=[
            pl.BlockSpec((B, DM), lambda j: (0, 0)),
            pl.BlockSpec((DM, VC), lambda j: (0, j)),
        ],
        out_specs=[
            pl.BlockSpec((B, VC), lambda j: (0, j)),
            pl.BlockSpec((B, K), lambda j: (0, 0)),
        ],
        out_shape=[
            jax.ShapeDtypeStruct((B, VPAD), jnp.float32),
            jax.ShapeDtypeStruct((B, K), jnp.int32),
        ],
        scratch_shapes=[pltpu.VMEM((NG, B), jnp.float32)],
    )(x, head)


def _finalize(cand, topgf, gnoise):
    C = K * GW
    PH = 5

    def body(cand_ref, topgf_ref, g_ref, next_ref, probs_ref, topi_ref,
             cs_ref):
        tgf = topgf_ref[...]
        rk = lax.broadcasted_iota(jnp.int32, (B, K, GW), 0)
        tg3 = tgf[:, :, None] - rk * NG
        vid3 = tg3 * GW + lax.broadcasted_iota(jnp.int32, (B, K, GW), 2)
        vid = vid3.reshape(B, C)
        cs_ref[...] = jnp.where(vid < VOCAB_N, cand_ref[...], -jnp.inf)
        klane = lax.broadcasted_iota(jnp.int32, (B, K), 1)

        tv = jnp.zeros((B, K), jnp.float32)
        ti = jnp.zeros((B, K), jnp.int32)
        for ph in range(K // PH):
            W = (ph + 1) * PH * GW
            vidp = vid[:, :W]

            def ext(k, carry, vidp=vidp):
                cp, tv, ti = carry
                m = jnp.max(cp, axis=1, keepdims=True)
                wv = jnp.min(jnp.where(cp == m, vidp, BIGI), axis=1)
                tv = jnp.where(klane == k, m, tv)
                ti = jnp.where(klane == k, wv[:, None], ti)
                cp = jnp.where(vidp == wv[:, None], -jnp.inf, cp)
                return cp, tv, ti

            cp, tv, ti = lax.fori_loop(
                ph * PH, (ph + 1) * PH, ext, (cs_ref[:, :W], tv, ti))
            if (ph + 1) * PH < K:
                cs_ref[:, :W] = cp

        z = tv
        p = jnp.exp(z - z[:, 0:1])
        probs = p / jnp.sum(p, axis=1, keepdims=True)
        probs_ref[...] = probs
        topi_ref[...] = ti
        score = jnp.log(probs + 1e-20) + g_ref[...]
        sm = jnp.max(score, axis=1, keepdims=True)
        ix = jnp.min(jnp.where(score == sm, klane, BIGI), axis=1)
        next_ref[...] = jnp.sum(
            jnp.where(klane == ix[:, None], ti, 0), axis=1)[:, None]

    return pl.pallas_call(
        body,
        out_shape=[
            jax.ShapeDtypeStruct((B, 1), jnp.int32),
            jax.ShapeDtypeStruct((B, K), jnp.float32),
            jax.ShapeDtypeStruct((B, K), jnp.int32),
        ],
        scratch_shapes=[pltpu.VMEM((B, C), jnp.float32)],
    )(cand, topgf, gnoise)


def kernel(idx, embed, head):
    last = idx[:, -1].astype(jnp.int32)
    g = jax.random.gumbel(jax.random.key(42), (B, K), jnp.float32)
    x = _sc_gather_rows(embed, last, rows_per_worker=8, workers=8)
    logits, topgf = _matmul_select(x, head)
    cand = _sc_gather_rows(logits.reshape(B * NG, GW), topgf.reshape(B * K),
                           rows_per_worker=128, workers=25)
    nxt, probs, topi = _finalize(cand.reshape(B, K * GW), topgf, g)
    return nxt, probs, topi

# --- scband reference (transcript-rebuilt; emitter-appended) ---
"""Pipeline reference for scband-language-model-69552700391912 (READ-ONLY COPY).

The authoritative reference and input builder live on the scoring server;
editing this copy changes nothing except your own understanding.
"""

import jax, jax.numpy as jnp
import numpy as np

VOCAB = 100000
D_MODEL = 1024
CONTEXT = 2048
TOP_K = 50
TEMPERATURE = 1.0


def setup_inputs(seed: int = 0) -> dict:
    key = jax.random.key(seed)
    k1, k2, k3 = jax.random.split(key, 3)
    idx = jax.random.randint(k1, (64, CONTEXT), 0, VOCAB, dtype=jnp.int64 if jax.config.jax_enable_x64 else jnp.int32).astype(jnp.int32)
    # Learned params for a minimal concrete forward: embedding table + output projection
    # (LanguageModel is abstract; we realize forward as embed -> mean-free linear head -> logits)
    embed = jax.random.normal(k2, (VOCAB, D_MODEL), dtype=jnp.float32) * 0.02
    head = jax.random.normal(k3, (D_MODEL, VOCAB), dtype=jnp.float32) * 0.02
    return {"idx": idx, "embed": embed, "head": head}


def _forward_logits(idx, embed, head):
    # minimal concrete LM forward: logits[b, t, v] = embed[idx[b,t]] @ head
    x = jnp.take(embed, idx, axis=0)  # (B, T, D)
    logits = jnp.einsum('btd,dv->btv', x, head)  # (B, T, V)
    return logits


def reference(idx, embed, head):
    # Faithful translation of sample_next_token with temperature>0 and top_k
    idx_cropped = idx[:, -CONTEXT:]
    logits = _forward_logits(idx_cropped, embed, head)
    logits = logits[:, -1, :]  # (B, V)
    k = min(TOP_K, logits.shape[-1])
    topk_logits, topk_indices = jax.lax.top_k(logits, k)  # (B, k)
    topk_logits = topk_logits / TEMPERATURE
    probs = jax.nn.softmax(topk_logits, axis=-1)
    # multinomial sampling (1 sample per row) via Gumbel trick for determinism under jit
    gkey = jax.random.key(42)
    g = jax.random.gumbel(gkey, probs.shape, dtype=probs.dtype)
    ix = jnp.argmax(jnp.log(probs + 1e-20) + g, axis=-1, keepdims=True)  # (B, 1)
    next_token = jnp.take_along_axis(topk_indices, ix, axis=-1)  # (B, 1)
    return next_token, probs, topk_indices

if __name__ == "__main__":
    import jax
    _d = setup_inputs()
    print(jax.jit(kernel)(*tuple(_d.values())))

</pallas_src>

<mosaic_0001>
#map = affine_map<(d0, d1) -> (0, 0)>
#map1 = affine_map<(d0, d1) -> (0)>
module attributes {stable_mosaic.version = 14 : i64} {
  func.func @k(%arg0: i32, %arg1: i32, %arg2: memref<100000x1024xf32, #tpu.memory_space<hbm>>, %arg3: memref<64xi32, #tpu.memory_space<hbm>>, %arg4: memref<64x1024xf32, #tpu.memory_space<hbm>>, %arg5: memref<8xi32, #tpu.memory_space<vmem>>, %arg6: memref<8x1024xf32, #tpu.memory_space<vmem>>, %arg7: memref<!tpu.dma_semaphore, #tpu.memory_space<semaphore_mem>>) attributes {dimension_semantics = [#tpu.dimension_semantics<core_parallel>, #tpu.dimension_semantics<subcore_parallel>], iteration_bounds = array<i64: 2, 16>, scalar_prefetch = 0 : i64, scratch_operands = 3 : i64, tpu.core_type = #tpu.core_type<sc_vector_subcore>, window_params = [{transform_indices = #map}, {transform_indices = #map1}, {transform_indices = #map}]} {
    %mul3A = arith.constant 2 : i32
    %mul3A_0 = arith.muli %arg1, %mul3A : i32
    %add3A = arith.addi %mul3A_0, %arg0 : i32
    %lt3A = arith.constant 8 : i32
    %lt3A_1 = arith.cmpi slt, %add3A, %lt3A : i32
    %convert_element_type3A = arith.extui %lt3A_1 : i1 to i32
    %cond3A = arith.constant 0 : i32
    %cond3A_2 = arith.cmpi ne, %convert_element_type3A, %cond3A : i32
    scf.if %cond3A_2 {
      %mul3A_3 = arith.constant 8 : i32
      %mul3A_4 = arith.muli %add3A, %mul3A_3 : i32
      "tpu.region"() ({
        %run_scoped3A = tpu.sem_alloc : memref<!tpu.dma_semaphore, #tpu.memory_space<semaphore_mem>>
        %dma_start3A_9 = tpu.memref_slice %arg3[%mul3A_4] : memref<64xi32, #tpu.memory_space<hbm>> -> memref<8xi32, #tpu.memory_space<hbm>>
        %dma_start3A_10 = tpu.memref_slice %arg3[%mul3A_4] : memref<64xi32, #tpu.memory_space<hbm>> -> memref<8xi32, #tpu.memory_space<hbm>>
        tpu.enqueue_dma source(%dma_start3A_10 : memref<8xi32, #tpu.memory_space<hbm>>) target(%arg5 : memref<8xi32, #tpu.memory_space<vmem>>) target_semaphore(%run_scoped3A : memref<!tpu.dma_semaphore, #tpu.memory_space<semaphore_mem>>)
        %dma_wait3A_11 = tpu.memref_slice %arg3[%mul3A_4] : memref<64xi32, #tpu.memory_space<hbm>> -> memref<8xi32, #tpu.memory_space<hbm>>
        %dma_wait3A_12 = tpu.memref_slice %arg3[%mul3A_4] : memref<64xi32, #tpu.memory_space<hbm>> -> memref<8xi32, #tpu.memory_space<hbm>>
        tpu.wait_dma2 semaphore(%run_scoped3A : memref<!tpu.dma_semaphore, #tpu.memory_space<semaphore_mem>>) src(%dma_wait3A_12 : memref<8xi32, #tpu.memory_space<hbm>>) dst(%arg5 : memref<8xi32, #tpu.memory_space<vmem>>)
        tpu.yield
      }) : () -> ()
      %dma_start3A = arith.constant 0 : i32
      %dma_start3A_5 = arith.constant 0 : i32
      %dma_start3A_6 = tpu.memref_slice %arg2[%dma_start3A, %dma_start3A_5] : memref<100000x1024xf32, #tpu.memory_space<hbm>> -> memref<100000x1024xf32, #tpu.memory_space<hbm>>
      tpu.enqueue_indirect_dma source(%dma_start3A_6 : memref<100000x1024xf32, #tpu.memory_space<hbm>>) target(%arg6 : memref<8x1024xf32, #tpu.memory_space<vmem>>) offsets(%arg5 : memref<8xi32, #tpu.memory_space<vmem>>) semaphore(%arg7 : memref<!tpu.dma_semaphore, #tpu.memory_space<semaphore_mem>>)
      %dma_wait3A = arith.constant 0 : i32
      %dma_wait3A_7 = arith.constant 0 : i32
      %dma_wait3A_8 = tpu.memref_slice %arg2[%dma_wait3A, %dma_wait3A_7] : memref<100000x1024xf32, #tpu.memory_space<hbm>> -> memref<100000x1024xf32, #tpu.memory_space<hbm>>
      tpu.wait_indirect_dma semaphore(%arg7 : memref<!tpu.dma_semaphore, #tpu.memory_space<semaphore_mem>>) src(%dma_wait3A_8 : memref<100000x1024xf32, #tpu.memory_space<hbm>>) dst(%arg6 : memref<8x1024xf32, #tpu.memory_space<vmem>>)
      "tpu.region"() ({
        %run_scoped3A = tpu.sem_alloc : memref<!tpu.dma_semaphore, #tpu.memory_space<semaphore_mem>>
        %dma_start3A_9 = arith.constant 0 : i32
        %dma_start3A_10 = tpu.memref_slice %arg4[%mul3A_4, %dma_start3A_9] : memref<64x1024xf32, #tpu.memory_space<hbm>> -> memref<8x1024xf32, #tpu.memory_space<hbm>>
        %dma_start3A_11 = arith.constant 0 : i32
        %dma_start3A_12 = tpu.memref_slice %arg4[%mul3A_4, %dma_start3A_11] : memref<64x1024xf32, #tpu.memory_space<hbm>> -> memref<8x1024xf32, #tpu.memory_space<hbm>>
        tpu.enqueue_dma source(%arg6 : memref<8x1024xf32, #tpu.memory_space<vmem>>) target(%dma_start3A_12 : memref<8x1024xf32, #tpu.memory_space<hbm>>) target_semaphore(%run_scoped3A : memref<!tpu.dma_semaphore, #tpu.memory_space<semaphore_mem>>)
        %dma_wait3A_13 = arith.constant 0 : i32
        %dma_wait3A_14 = tpu.memref_slice %arg4[%mul3A_4, %dma_wait3A_13] : memref<64x1024xf32, #tpu.memory_space<hbm>> -> memref<8x1024xf32, #tpu.memory_space<hbm>>
        %dma_wait3A_15 = arith.constant 0 : i32
        %dma_wait3A_16 = tpu.memref_slice %arg4[%mul3A_4, %dma_wait3A_15] : memref<64x1024xf32, #tpu.memory_space<hbm>> -> memref<8x1024xf32, #tpu.memory_space<hbm>>
        tpu.wait_dma2 semaphore(%run_scoped3A : memref<!tpu.dma_semaphore, #tpu.memory_space<semaphore_mem>>) src(%arg6 : memref<8x1024xf32, #tpu.memory_space<vmem>>) dst(%dma_wait3A_16 : memref<8x1024xf32, #tpu.memory_space<hbm>>)
        tpu.yield
      }) : () -> ()
    } else {
    }
    return
  }
}

#map = affine_map<(d0, d1) -> (0, 0)>
#map1 = affine_map<(d0, d1) -> (0)>
module attributes {stable_mosaic.version = 14 : i64} {
  func.func @k(%arg0: i32, %arg1: i32, %arg2: memref<50176x128xf32, #tpu.memory_space<hbm>>, %arg3: memref<3200xi32, #tpu.memory_space<hbm>>, %arg4: memref<3200x128xf32, #tpu.memory_space<hbm>>, %arg5: memref<128xi32, #tpu.memory_space<vmem>>, %arg6: memref<128x128xf32, #tpu.memory_space<vmem>>, %arg7: memref<!tpu.dma_semaphore, #tpu.memory_space<semaphore_mem>>) attributes {dimension_semantics = [#tpu.dimension_semantics<core_parallel>, #tpu.dimension_semantics<subcore_parallel>], iteration_bounds = array<i64: 2, 16>, scalar_prefetch = 0 : i64, scratch_operands = 3 : i64, tpu.core_type = #tpu.core_type<sc_vector_subcore>, window_params = [{transform_indices = #map}, {transform_indices = #map1}, {transform_indices = #map}]} {
    %mul3A = arith.constant 2 : i32
    %mul3A_0 = arith.muli %arg1, %mul3A : i32
    %add3A = arith.addi %mul3A_0, %arg0 : i32
    %lt3A = arith.constant 25 : i32
    %lt3A_1 = arith.cmpi slt, %add3A, %lt3A : i32
    %convert_element_type3A = arith.extui %lt3A_1 : i1 to i32
    %cond3A = arith.constant 0 : i32
    %cond3A_2 = arith.cmpi ne, %convert_element_type3A, %cond3A : i32
    scf.if %cond3A_2 {
      %mul3A_3 = arith.constant 128 : i32
      %mul3A_4 = arith.muli %add3A, %mul3A_3 : i32
      "tpu.region"() ({
        %run_scoped3A = tpu.sem_alloc : memref<!tpu.dma_semaphore, #tpu.memory_space<semaphore_mem>>
        %dma_start3A_9 = tpu.memref_slice %arg3[%mul3A_4] : memref<3200xi32, #tpu.memory_space<hbm>> -> memref<128xi32, #tpu.memory_space<hbm>>
        %dma_start3A_10 = tpu.memref_slice %arg3[%mul3A_4] : memref<3200xi32, #tpu.memory_space<hbm>> -> memref<128xi32, #tpu.memory_space<hbm>>
        tpu.enqueue_dma source(%dma_start3A_10 : memref<128xi32, #tpu.memory_space<hbm>>) target(%arg5 : memref<128xi32, #tpu.memory_space<vmem>>) target_semaphore(%run_scoped3A : memref<!tpu.dma_semaphore, #tpu.memory_space<semaphore_mem>>)
        %dma_wait3A_11 = tpu.memref_slice %arg3[%mul3A_4] : memref<3200xi32, #tpu.memory_space<hbm>> -> memref<128xi32, #tpu.memory_space<hbm>>
        %dma_wait3A_12 = tpu.memref_slice %arg3[%mul3A_4] : memref<3200xi32, #tpu.memory_space<hbm>> -> memref<128xi32, #tpu.memory_space<hbm>>
        tpu.wait_dma2 semaphore(%run_scoped3A : memref<!tpu.dma_semaphore, #tpu.memory_space<semaphore_mem>>) src(%dma_wait3A_12 : memref<128xi32, #tpu.memory_space<hbm>>) dst(%arg5 : memref<128xi32, #tpu.memory_space<vmem>>)
        tpu.yield
      }) : () -> ()
      %dma_start3A = arith.constant 0 : i32
      %dma_start3A_5 = arith.constant 0 : i32
      %dma_start3A_6 = tpu.memref_slice %arg2[%dma_start3A, %dma_start3A_5] : memref<50176x128xf32, #tpu.memory_space<hbm>> -> memref<50176x128xf32, #tpu.memory_space<hbm>>
      tpu.enqueue_indirect_dma source(%dma_start3A_6 : memref<50176x128xf32, #tpu.memory_space<hbm>>) target(%arg6 : memref<128x128xf32, #tpu.memory_space<vmem>>) offsets(%arg5 : memref<128xi32, #tpu.memory_space<vmem>>) semaphore(%arg7 : memref<!tpu.dma_semaphore, #tpu.memory_space<semaphore_mem>>)
      %dma_wait3A = arith.constant 0 : i32
      %dma_wait3A_7 = arith.constant 0 : i32
      %dma_wait3A_8 = tpu.memref_slice %arg2[%dma_wait3A, %dma_wait3A_7] : memref<50176x128xf32, #tpu.memory_space<hbm>> -> memref<50176x128xf32, #tpu.memory_space<hbm>>
      tpu.wait_indirect_dma semaphore(%arg7 : memref<!tpu.dma_semaphore, #tpu.memory_space<semaphore_mem>>) src(%dma_wait3A_8 : memref<50176x128xf32, #tpu.memory_space<hbm>>) dst(%arg6 : memref<128x128xf32, #tpu.memory_space<vmem>>)
      "tpu.region"() ({
        %run_scoped3A = tpu.sem_alloc : memref<!tpu.dma_semaphore, #tpu.memory_space<semaphore_mem>>
        %dma_start3A_9 = arith.constant 0 : i32
        %dma_start3A_10 = tpu.memref_slice %arg4[%mul3A_4, %dma_start3A_9] : memref<3200x128xf32, #tpu.memory_space<hbm>> -> memref<128x128xf32, #tpu.memory_space<hbm>>
        %dma_start3A_11 = arith.constant 0 : i32
        %dma_start3A_12 = tpu.memref_slice %arg4[%mul3A_4, %dma_start3A_11] : memref<3200x128xf32, #tpu.memory_space<hbm>> -> memref<128x128xf32, #tpu.memory_space<hbm>>
        tpu.enqueue_dma source(%arg6 : memref<128x128xf32, #tpu.memory_space<vmem>>) target(%dma_start3A_12 : memref<128x128xf32, #tpu.memory_space<hbm>>) target_semaphore(%run_scoped3A : memref<!tpu.dma_semaphore, #tpu.memory_space<semaphore_mem>>)
        %dma_wait3A_13 = arith.constant 0 : i32
        %dma_wait3A_14 = tpu.memref_slice %arg4[%mul3A_4, %dma_wait3A_13] : memref<3200x128xf32, #tpu.memory_space<hbm>> -> memref<128x128xf32, #tpu.memory_space<hbm>>
        %dma_wait3A_15 = arith.constant 0 : i32
        %dma_wait3A_16 = tpu.memref_slice %arg4[%mul3A_4, %dma_wait3A_15] : memref<3200x128xf32, #tpu.memory_space<hbm>> -> memref<128x128xf32, #tpu.memory_space<hbm>>
        tpu.wait_dma2 semaphore(%run_scoped3A : memref<!tpu.dma_semaphore, #tpu.memory_space<semaphore_mem>>) src(%arg6 : memref<128x128xf32, #tpu.memory_space<vmem>>) dst(%dma_wait3A_16 : memref<128x128xf32, #tpu.memory_space<hbm>>)
        tpu.yield
      }) : () -> ()
    } else {
    }
    return
  }
}

module attributes {stable_mosaic.version = 14 : i64} {
  func.func @body(%arg0: i32, %arg1: memref<64x1024xf32, #tpu.memory_space<vmem>>, %arg2: memref<1024x2048xf32, #tpu.memory_space<vmem>>, %arg3: memref<64x2048xf32, #tpu.memory_space<vmem>>, %arg4: memref<64x50xi32, #tpu.memory_space<vmem>>, %arg5: memref<784x64xf32, #tpu.memory_space<vmem>>) attributes {dimension_semantics = [#tpu.dimension_semantics<arbitrary>], iteration_bounds = array<i64: 49>, scalar_prefetch = 0 : i64, scratch_operands = 1 : i64, tpu.core_type = #tpu.core_type<tc>, window_params = [{pipeline_mode = #tpu.pipeline_mode<synchronous>, transform_indices = @transform_0, window_bounds = array<i64: 64, 1024>}, {transform_indices = @transform_1, window_bounds = array<i64: 1024, 2048>}, {transform_indices = @transform_2, window_bounds = array<i64: 64, 2048>}, {pipeline_mode = #tpu.pipeline_mode<synchronous>, transform_indices = @transform_3, window_bounds = array<i64: 64, 50>}]} {
    %get3A = arith.constant 0 : index
    %get3A_0 = arith.constant 0 : index
    %get3A_1 = vector.load %arg1[%get3A, %get3A_0] : memref<64x1024xf32, #tpu.memory_space<vmem>>, vector<64x1024xf32>
    %get3A_2 = arith.constant 0 : index
    %get3A_3 = arith.constant 0 : index
    %get3A_4 = vector.load %arg2[%get3A_2, %get3A_3] : memref<1024x2048xf32, #tpu.memory_space<vmem>>, vector<1024x2048xf32>
    %dot_general3A = arith.constant dense<0.000000e+00> : vector<64x2048xf32>
    %dot_general3A_5 = tpu.matmul %get3A_1, %get3A_4, %dot_general3A {dimension_numbers = #tpu.dot_dimension_numbers<[1], [0], [0], [1], [0, 0, 1, 1], [], []>, transpose_lhs_hint = false} : vector<64x1024xf32>, vector<1024x2048xf32>, vector<64x2048xf32> -> vector<64x2048xf32>
    %swap3A = arith.constant 0 : index
    %swap3A_6 = arith.constant 0 : index
    %swap3A_7 = vector.load %arg3[%swap3A, %swap3A_6] : memref<64x2048xf32, #tpu.memory_space<vmem>>, vector<64x2048xf32>
    tpu.vector_store %arg3[%swap3A, %swap3A_6], %dot_general3A_5 {strides = array<i32>} : memref<64x2048xf32, #tpu.memory_space<vmem>>, vector<64x2048xf32>,
    %iota3A = tpu.iota {dimensions = array<i32: 1>} : vector<64x2048xi32>
    %mul3A = arith.constant 2048 : i32
    %mul3A_8 = arith.muli %arg0, %mul3A : i32
    %add3A = vector.broadcast %mul3A_8 : i32 to vector<64x2048xi32>
    %add3A_9 = arith.addi %iota3A, %add3A : vector<64x2048xi32>
    %lt3A = arith.constant 100000 : i32
    %lt3A_10 = vector.broadcast %lt3A : i32 to vector<64x2048xi32>
    %lt3A_11 = arith.cmpi slt, %add3A_9, %lt3A_10 : vector<64x2048xi32>
    %jit3A = arith.constant 0xFF800000 : f32
    %broadcast_in_dim3A = vector.broadcast %jit3A : f32 to vector<64x2048xf32>
    %select_n3A = arith.select %lt3A_11, %dot_general3A_5, %broadcast_in_dim3A : vector<64x2048xi1>, vector<64x2048xf32>
    %reshape3A = vector.shape_cast %select_n3A : vector<64x2048xf32> to vector<64x16x128xf32>
    %reduce_max3A = arith.constant dense<0xFF800000> : vector<64x16xf32>
    %reduce_max3A_12 = vector.multi_reduction <maximumf>, %reshape3A, %reduce_max3A [2] : vector<64x16x128xf32> to vector<64x16xf32>
    %transpose3A = tpu.transpose %reduce_max3A_12, [1, 0] : vector<64x16xf32> -> vector<16x64xf32>
    %mul3A_13 = arith.constant 16 : i32
    %mul3A_14 = arith.muli %arg0, %mul3A_13 : i32
    %swap3A_15 = arith.index_cast %mul3A_14 : i32 to index
    %swap3A_16 = arith.constant 0 : index
    %swap3A_17 = vector.load %arg5[%swap3A_15, %swap3A_16] : memref<784x64xf32, #tpu.memory_space<vmem>>, vector<16x64xf32>
    tpu.vector_store %arg5[%swap3A_15, %swap3A_16], %transpose3A {strides = array<i32>} : memref<784x64xf32, #tpu.memory_space<vmem>>, vector<16x64xf32>,
    %eq3A = arith.constant 48 : i32
    %eq3A_18 = arith.cmpi eq, %arg0, %eq3A : i32
    %convert_element_type3A = arith.extui %eq3A_18 : i1 to i32
    %cond3A = arith.constant 0 : i32
    %cond3A_19 = arith.cmpi ne, %convert_element_type3A, %cond3A : i32
    scf.if %cond3A_19 {
      %iota3A_20 = tpu.iota {dimensions = array<i32: 0>} : vector<784x64xi32>
      %iota3A_21 = tpu.iota {dimensions = array<i32: 1>} : vector<64x50xi32>
      %get3A_22 = arith.constant 0 : index
      %get3A_23 = arith.constant 0 : index
      %get3A_24 = vector.load %arg5[%get3A_22, %get3A_23] : memref<784x64xf32, #tpu.memory_space<vmem>>, vector<784x64xf32>
      %broadcast_in_dim3A_25 = arith.constant 0 : i32
      %broadcast_in_dim3A_26 = vector.broadcast %broadcast_in_dim3A_25 : i32 to vector<64x50xi32>
      %scan3A = arith.constant 0 : i32
      %scan3A_27 = arith.constant 50 : i32
      %scan3A_28 = arith.addi %scan3A, %scan3A_27 : i32
      %scan3A_29 = arith.constant 1 : i32
      %scan3A_30:2 = scf.for %scan3A_40 = %scan3A to %scan3A_28 step %scan3A_29 iter_args(%scan3A_41 = %get3A_24, %scan3A_42 = %broadcast_in_dim3A_26) -> (vector<784x64xf32>, vector<64x50xi32>)  : i32 {
        %reduce_max3A_43 = arith.constant dense<0xFF800000> : vector<64xf32>
        %reduce_max3A_44 = vector.multi_reduction <maximumf>, %scan3A_41, %reduce_max3A_43 [0] : vector<784x64xf32> to vector<64xf32>
        %broadcast_in_dim3A_45 = vector.shape_cast %reduce_max3A_44 : vector<64xf32> to vector<1x64xf32>
        %eq3A_46 = vector.broadcast %broadcast_in_dim3A_45 : vector<1x64xf32> to vector<784x64xf32>
        %eq3A_47 = arith.cmpf oeq, %scan3A_41, %eq3A_46 : vector<784x64xf32>
        %jit3A_48 = arith.constant 1073741824 : i32
        %broadcast_in_dim3A_49 = vector.broadcast %jit3A_48 : i32 to vector<784x64xi32>
        %select_n3A_50 = arith.select %eq3A_47, %iota3A_20, %broadcast_in_dim3A_49 : vector<784x64xi1>, vector<784x64xi32>
        %reduce_min3A = arith.constant dense<2147483647> : vector<64xi32>
        %reduce_min3A_51 = vector.multi_reduction <minsi>, %select_n3A_50, %reduce_min3A [0] : vector<784x64xi32> to vector<64xi32>
        %eq3A_52 = vector.broadcast %scan3A_40 : i32 to vector<64x50xi32>
        %eq3A_53 = arith.cmpi eq, %iota3A_21, %eq3A_52 : vector<64x50xi32>
        %broadcast_in_dim3A_54 = vector.shape_cast %reduce_min3A_51 : vector<64xi32> to vector<64x1xi32>
        %broadcast_in_dim3A_55 = vector.shape_cast %broadcast_in_dim3A_54 : vector<64x1xi32> to vector<64x1xi32>
        %broadcast_in_dim3A_56 = vector.broadcast %broadcast_in_dim3A_55 : vector<64x1xi32> to vector<64x50xi32>
        %select_n3A_57 = arith.select %eq3A_53, %broadcast_in_dim3A_56, %scan3A_42 : vector<64x50xi1>, vector<64x50xi32>
        %broadcast_in_dim3A_58 = vector.shape_cast %reduce_min3A_51 : vector<64xi32> to vector<1x64xi32>
        %eq3A_59 = vector.broadcast %broadcast_in_dim3A_58 : vector<1x64xi32> to vector<784x64xi32>
        %eq3A_60 = arith.cmpi eq, %iota3A_20, %eq3A_59 : vector<784x64xi32>
        %jit3A_61 = arith.constant 0xFF800000 : f32
        %broadcast_in_dim3A_62 = vector.broadcast %jit3A_61 : f32 to vector<784x64xf32>
        %select_n3A_63 = arith.select %eq3A_60, %broadcast_in_dim3A_62, %scan3A_41 : vector<784x64xi1>, vector<784x64xf32>
        scf.yield %select_n3A_63, %select_n3A_57 : vector<784x64xf32>, vector<64x50xi32>
      }
      %scan3A_31 = arith.constant 50 : i32
      %iota3A_32 = tpu.iota {dimensions = array<i32: 0>} : vector<64x50xi32>
      %mul3A_33 = arith.constant 784 : i32
      %mul3A_34 = vector.broadcast %mul3A_33 : i32 to vector<64x50xi32>
      %mul3A_35 = arith.muli %iota3A_32, %mul3A_34 : vector<64x50xi32>
      %add3A_36 = arith.addi %scan3A_30#1, %mul3A_35 : vector<64x50xi32>
      %swap3A_37 = arith.constant 0 : index
      %swap3A_38 = arith.constant 0 : index
      %swap3A_39 = vector.load %arg4[%swap3A_37, %swap3A_38] : memref<64x50xi32, #tpu.memory_space<vmem>>, vector<64x50xi32>
      tpu.vector_store %arg4[%swap3A_37, %swap3A_38], %add3A_36 {strides = array<i32>} : memref<64x50xi32, #tpu.memory_space<vmem>>, vector<64x50xi32>,
    } else {
    }
    return
  }
  func.func @transform_0(%arg0: i32) -> (i32, i32) {
    %c0_i32 = arith.constant 0 : i32
    %c0_i32_0 = arith.constant 0 : i32
    %c0_i32_1 = arith.constant 0 : i32
    return %c0_i32, %c0_i32_0 : i32, i32
  }
  func.func @transform_1(%arg0: i32) -> (i32, i32) {
    %c0_i32 = arith.constant 0 : i32
    %c0_i32_0 = arith.constant 0 : i32
    return %c0_i32, %arg0 : i32, i32
  }
  func.func @transform_2(%arg0: i32) -> (i32, i32) {
    %c0_i32 = arith.constant 0 : i32
    %c0_i32_0 = arith.constant 0 : i32
    return %c0_i32, %arg0 : i32, i32
  }
  func.func @transform_3(%arg0: i32) -> (i32, i32) {
    %c0_i32 = arith.constant 0 : i32
    %c0_i32_0 = arith.constant 0 : i32
    %c0_i32_1 = arith.constant 0 : i32
    return %c0_i32, %c0_i32_0 : i32, i32
  }
}

module attributes {stable_mosaic.version = 14 : i64} {
  func.func @body(%arg0: memref<64x6400xf32, #tpu.memory_space<vmem>>, %arg1: memref<64x50xi32, #tpu.memory_space<vmem>>, %arg2: memref<64x50xf32, #tpu.memory_space<vmem>>, %arg3: memref<64x1xi32, #tpu.memory_space<vmem>>, %arg4: memref<64x50xf32, #tpu.memory_space<vmem>>, %arg5: memref<64x50xi32, #tpu.memory_space<vmem>>, %arg6: memref<64x6400xf32, #tpu.memory_space<vmem>>) attributes {dimension_semantics = [], scalar_prefetch = 0 : i64, scratch_operands = 1 : i64, tpu.core_type = #tpu.core_type<tc>} {
    %get3A = arith.constant 0 : index
    %get3A_0 = arith.constant 0 : index
    %get3A_1 = vector.load %arg1[%get3A, %get3A_0] : memref<64x50xi32, #tpu.memory_space<vmem>>, vector<64x50xi32>
    %iota3A = tpu.iota {dimensions = array<i32: 0>} : vector<64x50x128xi32>
    %broadcast_in_dim3A = vector.shape_cast %get3A_1 : vector<64x50xi32> to vector<64x50x1xi32>
    %mul3A = arith.constant 784 : i32
    %mul3A_2 = vector.broadcast %mul3A : i32 to vector<64x50x128xi32>
    %mul3A_3 = arith.muli %iota3A, %mul3A_2 : vector<64x50x128xi32>
    %sub3A = vector.broadcast %broadcast_in_dim3A : vector<64x50x1xi32> to vector<64x50x128xi32>
    %sub3A_4 = arith.subi %sub3A, %mul3A_3 : vector<64x50x128xi32>
    %mul3A_5 = arith.constant 128 : i32
    %mul3A_6 = vector.broadcast %mul3A_5 : i32 to vector<64x50x128xi32>
    %mul3A_7 = arith.muli %sub3A_4, %mul3A_6 : vector<64x50x128xi32>
    %iota3A_8 = tpu.iota {dimensions = array<i32: 2>} : vector<64x50x128xi32>
    %add3A = arith.addi %mul3A_7, %iota3A_8 : vector<64x50x128xi32>
    %reshape3A = vector.shape_cast %add3A : vector<64x50x128xi32> to vector<64x6400xi32>
    %lt3A = arith.constant 100000 : i32
    %lt3A_9 = vector.broadcast %lt3A : i32 to vector<64x6400xi32>
    %lt3A_10 = arith.cmpi slt, %reshape3A, %lt3A_9 : vector<64x6400xi32>
    %get3A_11 = arith.constant 0 : index
    %get3A_12 = arith.constant 0 : index
    %get3A_13 = vector.load %arg0[%get3A_11, %get3A_12] : memref<64x6400xf32, #tpu.memory_space<vmem>>, vector<64x6400xf32>
    %jit3A = arith.constant 0xFF800000 : f32
    %broadcast_in_dim3A_14 = vector.broadcast %jit3A : f32 to vector<64x6400xf32>
    %select_n3A = arith.select %lt3A_10, %get3A_13, %broadcast_in_dim3A_14 : vector<64x6400xi1>, vector<64x6400xf32>
    %swap3A = arith.constant 0 : index
    %swap3A_15 = arith.constant 0 : index
    %swap3A_16 = vector.load %arg6[%swap3A, %swap3A_15] : memref<64x6400xf32, #tpu.memory_space<vmem>>, vector<64x6400xf32>
    tpu.vector_store %arg6[%swap3A, %swap3A_15], %select_n3A {strides = array<i32>} : memref<64x6400xf32, #tpu.memory_space<vmem>>, vector<64x6400xf32>,
    %iota3A_17 = tpu.iota {dimensions = array<i32: 1>} : vector<64x50xi32>
    %broadcast_in_dim3A_18 = arith.constant 0.000000e+00 : f32
    %broadcast_in_dim3A_19 = vector.broadcast %broadcast_in_dim3A_18 : f32 to vector<64x50xf32>
    %broadcast_in_dim3A_20 = arith.constant 0 : i32
    %broadcast_in_dim3A_21 = vector.broadcast %broadcast_in_dim3A_20 : i32 to vector<64x50xi32>
    %slice3A = vector.extract_strided_slice %reshape3A {offsets = [0, 0], sizes = [64, 640], strides = [1, 1]} : vector<64x6400xi32> to vector<64x640xi32>
    %get3A_22 = arith.constant 0 : index
    %get3A_23 = arith.constant 0 : index
    %get3A_24 = vector.load %arg6[%get3A_22, %get3A_23] : memref<64x6400xf32, #tpu.memory_space<vmem>>, vector<64x640xf32>
    %scan3A = arith.constant 0 : i32
    %scan3A_25 = arith.constant 5 : i32
    %scan3A_26 = arith.addi %scan3A, %scan3A_25 : i32
    %scan3A_27 = arith.constant 1 : i32
    %scan3A_28:3 = scf.for %scan3A_184 = %scan3A to %scan3A_26 step %scan3A_27 iter_args(%scan3A_185 = %get3A_24, %scan3A_186 = %broadcast_in_dim3A_19, %scan3A_187 = %broadcast_in_dim3A_21) -> (vector<64x640xf32>, vector<64x50xf32>, vector<64x50xi32>)  : i32 {
      %reduce_max3A_188 = arith.constant dense<0xFF800000> : vector<64xf32>
      %reduce_max3A_189 = vector.multi_reduction <maximumf>, %scan3A_185, %reduce_max3A_188 [1] : vector<64x640xf32> to vector<64xf32>
      %broadcast_in_dim3A_190 = vector.shape_cast %reduce_max3A_189 : vector<64xf32> to vector<64x1xf32>
      %eq3A_191 = vector.broadcast %broadcast_in_dim3A_190 : vector<64x1xf32> to vector<64x640xf32>
      %eq3A_192 = arith.cmpf oeq, %scan3A_185, %eq3A_191 : vector<64x640xf32>
      %jit3A_193 = arith.constant 1073741824 : i32
      %broadcast_in_dim3A_194 = vector.broadcast %jit3A_193 : i32 to vector<64x640xi32>
      %select_n3A_195 = arith.select %eq3A_192, %slice3A, %broadcast_in_dim3A_194 : vector<64x640xi1>, vector<64x640xi32>
      %reduce_min3A_196 = arith.constant dense<2147483647> : vector<64xi32>
      %reduce_min3A_197 = vector.multi_reduction <minsi>, %select_n3A_195, %reduce_min3A_196 [1] : vector<64x640xi32> to vector<64xi32>
      %eq3A_198 = vector.broadcast %scan3A_184 : i32 to vector<64x50xi32>
      %eq3A_199 = arith.cmpi eq, %iota3A_17, %eq3A_198 : vector<64x50xi32>
      %broadcast_in_dim3A_200 = vector.shape_cast %broadcast_in_dim3A_190 : vector<64x1xf32> to vector<64x1xf32>
      %broadcast_in_dim3A_201 = vector.broadcast %broadcast_in_dim3A_200 : vector<64x1xf32> to vector<64x50xf32>
      %select_n3A_202 = arith.select %eq3A_199, %broadcast_in_dim3A_201, %scan3A_186 : vector<64x50xi1>, vector<64x50xf32>
      %eq3A_203 = vector.broadcast %scan3A_184 : i32 to vector<64x50xi32>
      %eq3A_204 = arith.cmpi eq, %iota3A_17, %eq3A_203 : vector<64x50xi32>
      %broadcast_in_dim3A_205 = vector.shape_cast %reduce_min3A_197 : vector<64xi32> to vector<64x1xi32>
      %broadcast_in_dim3A_206 = vector.shape_cast %broadcast_in_dim3A_205 : vector<64x1xi32> to vector<64x1xi32>
      %broadcast_in_dim3A_207 = vector.broadcast %broadcast_in_dim3A_206 : vector<64x1xi32> to vector<64x50xi32>
      %select_n3A_208 = arith.select %eq3A_204, %broadcast_in_dim3A_207, %scan3A_187 : vector<64x50xi1>, vector<64x50xi32>
      %broadcast_in_dim3A_209 = vector.shape_cast %reduce_min3A_197 : vector<64xi32> to vector<64x1xi32>
      %eq3A_210 = vector.broadcast %broadcast_in_dim3A_209 : vector<64x1xi32> to vector<64x640xi32>
      %eq3A_211 = arith.cmpi eq, %slice3A, %eq3A_210 : vector<64x640xi32>
      %jit3A_212 = arith.constant 0xFF800000 : f32
      %broadcast_in_dim3A_213 = vector.broadcast %jit3A_212 : f32 to vector<64x640xf32>
      %select_n3A_214 = arith.select %eq3A_211, %broadcast_in_dim3A_213, %scan3A_185 : vector<64x640xi1>, vector<64x640xf32>
      scf.yield %select_n3A_214, %select_n3A_202, %select_n3A_208 : vector<64x640xf32>, vector<64x50xf32>, vector<64x50xi32>
    }
    %scan3A_29 = arith.constant 5 : i32
    %swap3A_30 = arith.constant 0 : index
    %swap3A_31 = arith.constant 0 : index
    %swap3A_32 = vector.load %arg6[%swap3A_30, %swap3A_31] : memref<64x6400xf32, #tpu.memory_space<vmem>>, vector<64x640xf32>
    tpu.vector_store %arg6[%swap3A_30, %swap3A_31], %scan3A_28#0 {strides = array<i32>} : memref<64x6400xf32, #tpu.memory_space<vmem>>, vector<64x640xf32>,
    %slice3A_33 = vector.extract_strided_slice %reshape3A {offsets = [0, 0], sizes = [64, 1280], strides = [1, 1]} : vector<64x6400xi32> to vector<64x1280xi32>
    %get3A_34 = arith.constant 0 : index
    %get3A_35 = arith.constant 0 : index
    %get3A_36 = vector.load %arg6[%get3A_34, %get3A_35] : memref<64x6400xf32, #tpu.memory_space<vmem>>, vector<64x1280xf32>
    %scan3A_37 = arith.constant 5 : i32
    %scan3A_38 = arith.constant 5 : i32
    %scan3A_39 = arith.addi %scan3A_37, %scan3A_38 : i32
    %scan3A_40 = arith.constant 1 : i32
    %scan3A_41:3 = scf.for %scan3A_184 = %scan3A_37 to %scan3A_39 step %scan3A_40 iter_args(%scan3A_185 = %get3A_36, %scan3A_186 = %scan3A_28#1, %scan3A_187 = %scan3A_28#2) -> (vector<64x1280xf32>, vector<64x50xf32>, vector<64x50xi32>)  : i32 {
      %reduce_max3A_188 = arith.constant dense<0xFF800000> : vector<64xf32>
      %reduce_max3A_189 = vector.multi_reduction <maximumf>, %scan3A_185, %reduce_max3A_188 [1] : vector<64x1280xf32> to vector<64xf32>
      %broadcast_in_dim3A_190 = vector.shape_cast %reduce_max3A_189 : vector<64xf32> to vector<64x1xf32>
      %eq3A_191 = vector.broadcast %broadcast_in_dim3A_190 : vector<64x1xf32> to vector<64x1280xf32>
      %eq3A_192 = arith.cmpf oeq, %scan3A_185, %eq3A_191 : vector<64x1280xf32>
      %jit3A_193 = arith.constant 1073741824 : i32
      %broadcast_in_dim3A_194 = vector.broadcast %jit3A_193 : i32 to vector<64x1280xi32>
      %select_n3A_195 = arith.select %eq3A_192, %slice3A_33, %broadcast_in_dim3A_194 : vector<64x1280xi1>, vector<64x1280xi32>
      %reduce_min3A_196 = arith.constant dense<2147483647> : vector<64xi32>
      %reduce_min3A_197 = vector.multi_reduction <minsi>, %select_n3A_195, %reduce_min3A_196 [1] : vector<64x1280xi32> to vector<64xi32>
      %eq3A_198 = vector.broadcast %scan3A_184 : i32 to vector<64x50xi32>
      %eq3A_199 = arith.cmpi eq, %iota3A_17, %eq3A_198 : vector<64x50xi32>
      %broadcast_in_dim3A_200 = vector.shape_cast %broadcast_in_dim3A_190 : vector<64x1xf32> to vector<64x1xf32>
      %broadcast_in_dim3A_201 = vector.broadcast %broadcast_in_dim3A_200 : vector<64x1xf32> to vector<64x50xf32>
      %select_n3A_202 = arith.select %eq3A_199, %broadcast_in_dim3A_201, %scan3A_186 : vector<64x50xi1>, vector<64x50xf32>
      %eq3A_203 = vector.broadcast %scan3A_184 : i32 to vector<64x50xi32>
      %eq3A_204 = arith.cmpi eq, %iota3A_17, %eq3A_203 : vector<64x50xi32>
      %broadcast_in_dim3A_205 = vector.shape_cast %reduce_min3A_197 : vector<64xi32> to vector<64x1xi32>
      %broadcast_in_dim3A_206 = vector.shape_cast %broadcast_in_dim3A_205 : vector<64x1xi32> to vector<64x1xi32>
      %broadcast_in_dim3A_207 = vector.broadcast %broadcast_in_dim3A_206 : vector<64x1xi32> to vector<64x50xi32>
      %select_n3A_208 = arith.select %eq3A_204, %broadcast_in_dim3A_207, %scan3A_187 : vector<64x50xi1>, vector<64x50xi32>
      %broadcast_in_dim3A_209 = vector.shape_cast %reduce_min3A_197 : vector<64xi32> to vector<64x1xi32>
      %eq3A_210 = vector.broadcast %broadcast_in_dim3A_209 : vector<64x1xi32> to vector<64x1280xi32>
      %eq3A_211 = arith.cmpi eq, %slice3A_33, %eq3A_210 : vector<64x1280xi32>
      %jit3A_212 = arith.constant 0xFF800000 : f32
      %broadcast_in_dim3A_213 = vector.broadcast %jit3A_212 : f32 to vector<64x1280xf32>
      %select_n3A_214 = arith.select %eq3A_211, %broadcast_in_dim3A_213, %scan3A_185 : vector<64x1280xi1>, vector<64x1280xf32>
      scf.yield %select_n3A_214, %select_n3A_202, %select_n3A_208 : vector<64x1280xf32>, vector<64x50xf32>, vector<64x50xi32>
    }
    %scan3A_42 = arith.constant 5 : i32
    %swap3A_43 = arith.constant 0 : index
    %swap3A_44 = arith.constant 0 : index
    %swap3A_45 = vector.load %arg6[%swap3A_43, %swap3A_44] : memref<64x6400xf32, #tpu.memory_space<vmem>>, vector<64x1280xf32>
    tpu.vector_store %arg6[%swap3A_43, %swap3A_44], %scan3A_41#0 {strides = array<i32>} : memref<64x6400xf32, #tpu.memory_space<vmem>>, vector<64x1280xf32>,
    %slice3A_46 = vector.extract_strided_slice %reshape3A {offsets = [0, 0], sizes = [64, 1920], strides = [1, 1]} : vector<64x6400xi32> to vector<64x1920xi32>
    %get3A_47 = arith.constant 0 : index
    %get3A_48 = arith.constant 0 : index
    %get3A_49 = vector.load %arg6[%get3A_47, %get3A_48] : memref<64x6400xf32, #tpu.memory_space<vmem>>, vector<64x1920xf32>
    %scan3A_50 = arith.constant 10 : i32
    %scan3A_51 = arith.constant 5 : i32
    %scan3A_52 = arith.addi %scan3A_50, %scan3A_51 : i32
    %scan3A_53 = arith.constant 1 : i32
    %scan3A_54:3 = scf.for %scan3A_184 = %scan3A_50 to %scan3A_52 step %scan3A_53 iter_args(%scan3A_185 = %get3A_49, %scan3A_186 = %scan3A_41#1, %scan3A_187 = %scan3A_41#2) -> (vector<64x1920xf32>, vector<64x50xf32>, vector<64x50xi32>)  : i32 {
      %reduce_max3A_188 = arith.constant dense<0xFF800000> : vector<64xf32>
      %reduce_max3A_189 = vector.multi_reduction <maximumf>, %scan3A_185, %reduce_max3A_188 [1] : vector<64x1920xf32> to vector<64xf32>
      %broadcast_in_dim3A_190 = vector.shape_cast %reduce_max3A_189 : vector<64xf32> to vector<64x1xf32>
      %eq3A_191 = vector.broadcast %broadcast_in_dim3A_190 : vector<64x1xf32> to vector<64x1920xf32>
      %eq3A_192 = arith.cmpf oeq, %scan3A_185, %eq3A_191 : vector<64x1920xf32>
      %jit3A_193 = arith.constant 1073741824 : i32
      %broadcast_in_dim3A_194 = vector.broadcast %jit3A_193 : i32 to vector<64x1920xi32>
      %select_n3A_195 = arith.select %eq3A_192, %slice3A_46, %broadcast_in_dim3A_194 : vector<64x1920xi1>, vector<64x1920xi32>
      %reduce_min3A_196 = arith.constant dense<2147483647> : vector<64xi32>
      %reduce_min3A_197 = vector.multi_reduction <minsi>, %select_n3A_195, %reduce_min3A_196 [1] : vector<64x1920xi32> to vector<64xi32>
      %eq3A_198 = vector.broadcast %scan3A_184 : i32 to vector<64x50xi32>
      %eq3A_199 = arith.cmpi eq, %iota3A_17, %eq3A_198 : vector<64x50xi32>
      %broadcast_in_dim3A_200 = vector.shape_cast %broadcast_in_dim3A_190 : vector<64x1xf32> to vector<64x1xf32>
      %broadcast_in_dim3A_201 = vector.broadcast %broadcast_in_dim3A_200 : vector<64x1xf32> to vector<64x50xf32>
      %select_n3A_202 = arith.select %eq3A_199, %broadcast_in_dim3A_201, %scan3A_186 : vector<64x50xi1>, vector<64x50xf32>
      %eq3A_203 = vector.broadcast %scan3A_184 : i32 to vector<64x50xi32>
      %eq3A_204 = arith.cmpi eq, %iota3A_17, %eq3A_203 : vector<64x50xi32>
      %broadcast_in_dim3A_205 = vector.shape_cast %reduce_min3A_197 : vector<64xi32> to vector<64x1xi32>
      %broadcast_in_dim3A_206 = vector.shape_cast %broadcast_in_dim3A_205 : vector<64x1xi32> to vector<64x1xi32>
      %broadcast_in_dim3A_207 = vector.broadcast %broadcast_in_dim3A_206 : vector<64x1xi32> to vector<64x50xi32>
      %select_n3A_208 = arith.select %eq3A_204, %broadcast_in_dim3A_207, %scan3A_187 : vector<64x50xi1>, vector<64x50xi32>
      %broadcast_in_dim3A_209 = vector.shape_cast %reduce_min3A_197 : vector<64xi32> to vector<64x1xi32>
      %eq3A_210 = vector.broadcast %broadcast_in_dim3A_209 : vector<64x1xi32> to vector<64x1920xi32>
      %eq3A_211 = arith.cmpi eq, %slice3A_46, %eq3A_210 : vector<64x1920xi32>
      %jit3A_212 = arith.constant 0xFF800000 : f32
      %broadcast_in_dim3A_213 = vector.broadcast %jit3A_212 : f32 to vector<64x1920xf32>
      %select_n3A_214 = arith.select %eq3A_211, %broadcast_in_dim3A_213, %scan3A_185 : vector<64x1920xi1>, vector<64x1920xf32>
      scf.yield %select_n3A_214, %select_n3A_202, %select_n3A_208 : vector<64x1920xf32>, vector<64x50xf32>, vector<64x50xi32>
    }
    %scan3A_55 = arith.constant 5 : i32
    %swap3A_56 = arith.constant 0 : index
    %swap3A_57 = arith.constant 0 : index
    %swap3A_58 = vector.load %arg6[%swap3A_56, %swap3A_57] : memref<64x6400xf32, #tpu.memory_space<vmem>>, vector<64x1920xf32>
    tpu.vector_store %arg6[%swap3A_56, %swap3A_57], %scan3A_54#0 {strides = array<i32>} : memref<64x6400xf32, #tpu.memory_space<vmem>>, vector<64x1920xf32>,
    %slice3A_59 = vector.extract_strided_slice %reshape3A {offsets = [0, 0], sizes = [64, 2560], strides = [1, 1]} : vector<64x6400xi32> to vector<64x2560xi32>
    %get3A_60 = arith.constant 0 : index
    %get3A_61 = arith.constant 0 : index
    %get3A_62 = vector.load %arg6[%get3A_60, %get3A_61] : memref<64x6400xf32, #tpu.memory_space<vmem>>, vector<64x2560xf32>
    %scan3A_63 = arith.constant 15 : i32
    %scan3A_64 = arith.constant 5 : i32
    %scan3A_65 = arith.addi %scan3A_63, %scan3A_64 : i32
    %scan3A_66 = arith.constant 1 : i32
    %scan3A_67:3 = scf.for %scan3A_184 = %scan3A_63 to %scan3A_65 step %scan3A_66 iter_args(%scan3A_185 = %get3A_62, %scan3A_186 = %scan3A_54#1, %scan3A_187 = %scan3A_54#2) -> (vector<64x2560xf32>, vector<64x50xf32>, vector<64x50xi32>)  : i32 {
      %reduce_max3A_188 = arith.constant dense<0xFF800000> : vector<64xf32>
      %reduce_max3A_189 = vector.multi_reduction <maximumf>, %scan3A_185, %reduce_max3A_188 [1] : vector<64x2560xf32> to vector<64xf32>
      %broadcast_in_dim3A_190 = vector.shape_cast %reduce_max3A_189 : vector<64xf32> to vector<64x1xf32>
      %eq3A_191 = vector.broadcast %broadcast_in_dim3A_190 : vector<64x1xf32> to vector<64x2560xf32>
      %eq3A_192 = arith.cmpf oeq, %scan3A_185, %eq3A_191 : vector<64x2560xf32>
      %jit3A_193 = arith.constant 1073741824 : i32
      %broadcast_in_dim3A_194 = vector.broadcast %jit3A_193 : i32 to vector<64x2560xi32>
      %select_n3A_195 = arith.select %eq3A_192, %slice3A_59, %broadcast_in_dim3A_194 : vector<64x2560xi1>, vector<64x2560xi32>
      %reduce_min3A_196 = arith.constant dense<2147483647> : vector<64xi32>
      %reduce_min3A_197 = vector.multi_reduction <minsi>, %select_n3A_195, %reduce_min3A_196 [1] : vector<64x2560xi32> to vector<64xi32>
      %eq3A_198 = vector.broadcast %scan3A_184 : i32 to vector<64x50xi32>
      %eq3A_199 = arith.cmpi eq, %iota3A_17, %eq3A_198 : vector<64x50xi32>
      %broadcast_in_dim3A_200 = vector.shape_cast %broadcast_in_dim3A_190 : vector<64x1xf32> to vector<64x1xf32>
      %broadcast_in_dim3A_201 = vector.broadcast %broadcast_in_dim3A_200 : vector<64x1xf32> to vector<64x50xf32>
      %select_n3A_202 = arith.select %eq3A_199, %broadcast_in_dim3A_201, %scan3A_186 : vector<64x50xi1>, vector<64x50xf32>
      %eq3A_203 = vector.broadcast %scan3A_184 : i32 to vector<64x50xi32>
      %eq3A_204 = arith.cmpi eq, %iota3A_17, %eq3A_203 : vector<64x50xi32>
      %broadcast_in_dim3A_205 = vector.shape_cast %reduce_min3A_197 : vector<64xi32> to vector<64x1xi32>
      %broadcast_in_dim3A_206 = vector.shape_cast %broadcast_in_dim3A_205 : vector<64x1xi32> to vector<64x1xi32>
      %broadcast_in_dim3A_207 = vector.broadcast %broadcast_in_dim3A_206 : vector<64x1xi32> to vector<64x50xi32>
      %select_n3A_208 = arith.select %eq3A_204, %broadcast_in_dim3A_207, %scan3A_187 : vector<64x50xi1>, vector<64x50xi32>
      %broadcast_in_dim3A_209 = vector.shape_cast %reduce_min3A_197 : vector<64xi32> to vector<64x1xi32>
      %eq3A_210 = vector.broadcast %broadcast_in_dim3A_209 : vector<64x1xi32> to vector<64x2560xi32>
      %eq3A_211 = arith.cmpi eq, %slice3A_59, %eq3A_210 : vector<64x2560xi32>
      %jit3A_212 = arith.constant 0xFF800000 : f32
      %broadcast_in_dim3A_213 = vector.broadcast %jit3A_212 : f32 to vector<64x2560xf32>
      %select_n3A_214 = arith.select %eq3A_211, %broadcast_in_dim3A_213, %scan3A_185 : vector<64x2560xi1>, vector<64x2560xf32>
      scf.yield %select_n3A_214, %select_n3A_202, %select_n3A_208 : vector<64x2560xf32>, vector<64x50xf32>, vector<64x50xi32>
    }
    %scan3A_68 = arith.constant 5 : i32
    %swap3A_69 = arith.constant 0 : index
    %swap3A_70 = arith.constant 0 : index
    %swap3A_71 = vector.load %arg6[%swap3A_69, %swap3A_70] : memref<64x6400xf32, #tpu.memory_space<vmem>>, vector<64x2560xf32>
    tpu.vector_store %arg6[%swap3A_69, %swap3A_70], %scan3A_67#0 {strides = array<i32>} : memref<64x6400xf32, #tpu.memory_space<vmem>>, vector<64x2560xf32>,
    %slice3A_72 = vector.extract_strided_slice %reshape3A {offsets = [0, 0], sizes = [64, 3200], strides = [1, 1]} : vector<64x6400xi32> to vector<64x3200xi32>
    %get3A_73 = arith.constant 0 : index
    %get3A_74 = arith.constant 0 : index
    %get3A_75 = vector.load %arg6[%get3A_73, %get3A_74] : memref<64x6400xf32, #tpu.memory_space<vmem>>, vector<64x3200xf32>
    %scan3A_76 = arith.constant 20 : i32
    %scan3A_77 = arith.constant 5 : i32
    %scan3A_78 = arith.addi %scan3A_76, %scan3A_77 : i32
    %scan3A_79 = arith.constant 1 : i32
    %scan3A_80:3 = scf.for %scan3A_184 = %scan3A_76 to %scan3A_78 step %scan3A_79 iter_args(%scan3A_185 = %get3A_75, %scan3A_186 = %scan3A_67#1, %scan3A_187 = %scan3A_67#2) -> (vector<64x3200xf32>, vector<64x50xf32>, vector<64x50xi32>)  : i32 {
      %reduce_max3A_188 = arith.constant dense<0xFF800000> : vector<64xf32>
      %reduce_max3A_189 = vector.multi_reduction <maximumf>, %scan3A_185, %reduce_max3A_188 [1] : vector<64x3200xf32> to vector<64xf32>
      %broadcast_in_dim3A_190 = vector.shape_cast %reduce_max3A_189 : vector<64xf32> to vector<64x1xf32>
      %eq3A_191 = vector.broadcast %broadcast_in_dim3A_190 : vector<64x1xf32> to vector<64x3200xf32>
      %eq3A_192 = arith.cmpf oeq, %scan3A_185, %eq3A_191 : vector<64x3200xf32>
      %jit3A_193 = arith.constant 1073741824 : i32
      %broadcast_in_dim3A_194 = vector.broadcast %jit3A_193 : i32 to vector<64x3200xi32>
      %select_n3A_195 = arith.select %eq3A_192, %slice3A_72, %broadcast_in_dim3A_194 : vector<64x3200xi1>, vector<64x3200xi32>
      %reduce_min3A_196 = arith.constant dense<2147483647> : vector<64xi32>
      %reduce_min3A_197 = vector.multi_reduction <minsi>, %select_n3A_195, %reduce_min3A_196 [1] : vector<64x3200xi32> to vector<64xi32>
      %eq3A_198 = vector.broadcast %scan3A_184 : i32 to vector<64x50xi32>
      %eq3A_199 = arith.cmpi eq, %iota3A_17, %eq3A_198 : vector<64x50xi32>
      %broadcast_in_dim3A_200 = vector.shape_cast %broadcast_in_dim3A_190 : vector<64x1xf32> to vector<64x1xf32>
      %broadcast_in_dim3A_201 = vector.broadcast %broadcast_in_dim3A_200 : vector<64x1xf32> to vector<64x50xf32>
      %select_n3A_202 = arith.select %eq3A_199, %broadcast_in_dim3A_201, %scan3A_186 : vector<64x50xi1>, vector<64x50xf32>
      %eq3A_203 = vector.broadcast %scan3A_184 : i32 to vector<64x50xi32>
      %eq3A_204 = arith.cmpi eq, %iota3A_17, %eq3A_203 : vector<64x50xi32>
      %broadcast_in_dim3A_205 = vector.shape_cast %reduce_min3A_197 : vector<64xi32> to vector<64x1xi32>
      %broadcast_in_dim3A_206 = vector.shape_cast %broadcast_in_dim3A_205 : vector<64x1xi32> to vector<64x1xi32>
      %broadcast_in_dim3A_207 = vector.broadcast %broadcast_in_dim3A_206 : vector<64x1xi32> to vector<64x50xi32>
      %select_n3A_208 = arith.select %eq3A_204, %broadcast_in_dim3A_207, %scan3A_187 : vector<64x50xi1>, vector<64x50xi32>
      %broadcast_in_dim3A_209 = vector.shape_cast %reduce_min3A_197 : vector<64xi32> to vector<64x1xi32>
      %eq3A_210 = vector.broadcast %broadcast_in_dim3A_209 : vector<64x1xi32> to vector<64x3200xi32>
      %eq3A_211 = arith.cmpi eq, %slice3A_72, %eq3A_210 : vector<64x3200xi32>
      %jit3A_212 = arith.constant 0xFF800000 : f32
      %broadcast_in_dim3A_213 = vector.broadcast %jit3A_212 : f32 to vector<64x3200xf32>
      %select_n3A_214 = arith.select %eq3A_211, %broadcast_in_dim3A_213, %scan3A_185 : vector<64x3200xi1>, vector<64x3200xf32>
      scf.yield %select_n3A_214, %select_n3A_202, %select_n3A_208 : vector<64x3200xf32>, vector<64x50xf32>, vector<64x50xi32>
    }
    %scan3A_81 = arith.constant 5 : i32
    %swap3A_82 = arith.constant 0 : index
    %swap3A_83 = arith.constant 0 : index
    %swap3A_84 = vector.load %arg6[%swap3A_82, %swap3A_83] : memref<64x6400xf32, #tpu.memory_space<vmem>>, vector<64x3200xf32>
    tpu.vector_store %arg6[%swap3A_82, %swap3A_83], %scan3A_80#0 {strides = array<i32>} : memref<64x6400xf32, #tpu.memory_space<vmem>>, vector<64x3200xf32>,
    %slice3A_85 = vector.extract_strided_slice %reshape3A {offsets = [0, 0], sizes = [64, 3840], strides = [1, 1]} : vector<64x6400xi32> to vector<64x3840xi32>
    %get3A_86 = arith.constant 0 : index
    %get3A_87 = arith.constant 0 : index
    %get3A_88 = vector.load %arg6[%get3A_86, %get3A_87] : memref<64x6400xf32, #tpu.memory_space<vmem>>, vector<64x3840xf32>
    %scan3A_89 = arith.constant 25 : i32
    %scan3A_90 = arith.constant 5 : i32
    %scan3A_91 = arith.addi %scan3A_89, %scan3A_90 : i32
    %scan3A_92 = arith.constant 1 : i32
    %scan3A_93:3 = scf.for %scan3A_184 = %scan3A_89 to %scan3A_91 step %scan3A_92 iter_args(%scan3A_185 = %get3A_88, %scan3A_186 = %scan3A_80#1, %scan3A_187 = %scan3A_80#2) -> (vector<64x3840xf32>, vector<64x50xf32>, vector<64x50xi32>)  : i32 {
      %reduce_max3A_188 = arith.constant dense<0xFF800000> : vector<64xf32>
      %reduce_max3A_189 = vector.multi_reduction <maximumf>, %scan3A_185, %reduce_max3A_188 [1] : vector<64x3840xf32> to vector<64xf32>
      %broadcast_in_dim3A_190 = vector.shape_cast %reduce_max3A_189 : vector<64xf32> to vector<64x1xf32>
      %eq3A_191 = vector.broadcast %broadcast_in_dim3A_190 : vector<64x1xf32> to vector<64x3840xf32>
      %eq3A_192 = arith.cmpf oeq, %scan3A_185, %eq3A_191 : vector<64x3840xf32>
      %jit3A_193 = arith.constant 1073741824 : i32
      %broadcast_in_dim3A_194 = vector.broadcast %jit3A_193 : i32 to vector<64x3840xi32>
      %select_n3A_195 = arith.select %eq3A_192, %slice3A_85, %broadcast_in_dim3A_194 : vector<64x3840xi1>, vector<64x3840xi32>
      %reduce_min3A_196 = arith.constant dense<2147483647> : vector<64xi32>
      %reduce_min3A_197 = vector.multi_reduction <minsi>, %select_n3A_195, %reduce_min3A_196 [1] : vector<64x3840xi32> to vector<64xi32>
      %eq3A_198 = vector.broadcast %scan3A_184 : i32 to vector<64x50xi32>
      %eq3A_199 = arith.cmpi eq, %iota3A_17, %eq3A_198 : vector<64x50xi32>
      %broadcast_in_dim3A_200 = vector.shape_cast %broadcast_in_dim3A_190 : vector<64x1xf32> to vector<64x1xf32>
      %broadcast_in_dim3A_201 = vector.broadcast %broadcast_in_dim3A_200 : vector<64x1xf32> to vector<64x50xf32>
      %select_n3A_202 = arith.select %eq3A_199, %broadcast_in_dim3A_201, %scan3A_186 : vector<64x50xi1>, vector<64x50xf32>
      %eq3A_203 = vector.broadcast %scan3A_184 : i32 to vector<64x50xi32>
      %eq3A_204 = arith.cmpi eq, %iota3A_17, %eq3A_203 : vector<64x50xi32>
      %broadcast_in_dim3A_205 = vector.shape_cast %reduce_min3A_197 : vector<64xi32> to vector<64x1xi32>
      %broadcast_in_dim3A_206 = vector.shape_cast %broadcast_in_dim3A_205 : vector<64x1xi32> to vector<64x1xi32>
      %broadcast_in_dim3A_207 = vector.broadcast %broadcast_in_dim3A_206 : vector<64x1xi32> to vector<64x50xi32>
      %select_n3A_208 = arith.select %eq3A_204, %broadcast_in_dim3A_207, %scan3A_187 : vector<64x50xi1>, vector<64x50xi32>
      %broadcast_in_dim3A_209 = vector.shape_cast %reduce_min3A_197 : vector<64xi32> to vector<64x1xi32>
      %eq3A_210 = vector.broadcast %broadcast_in_dim3A_209 : vector<64x1xi32> to vector<64x3840xi32>
      %eq3A_211 = arith.cmpi eq, %slice3A_85, %eq3A_210 : vector<64x3840xi32>
      %jit3A_212 = arith.constant 0xFF800000 : f32
      %broadcast_in_dim3A_213 = vector.broadcast %jit3A_212 : f32 to vector<64x3840xf32>
      %select_n3A_214 = arith.select %eq3A_211, %broadcast_in_dim3A_213, %scan3A_185 : vector<64x3840xi1>, vector<64x3840xf32>
      scf.yield %select_n3A_214, %select_n3A_202, %select_n3A_208 : vector<64x3840xf32>, vector<64x50xf32>, vector<64x50xi32>
    }
    %scan3A_94 = arith.constant 5 : i32
    %swap3A_95 = arith.constant 0 : index
    %swap3A_96 = arith.constant 0 : index
    %swap3A_97 = vector.load %arg6[%swap3A_95, %swap3A_96] : memref<64x6400xf32, #tpu.memory_space<vmem>>, vector<64x3840xf32>
    tpu.vector_store %arg6[%swap3A_95, %swap3A_96], %scan3A_93#0 {strides = array<i32>} : memref<64x6400xf32, #tpu.memory_space<vmem>>, vector<64x3840xf32>,
    %slice3A_98 = vector.extract_strided_slice %reshape3A {offsets = [0, 0], sizes = [64, 4480], strides = [1, 1]} : vector<64x6400xi32> to vector<64x4480xi32>
    %get3A_99 = arith.constant 0 : index
    %get3A_100 = arith.constant 0 : index
    %get3A_101 = vector.load %arg6[%get3A_99, %get3A_100] : memref<64x6400xf32, #tpu.memory_space<vmem>>, vector<64x4480xf32>
    %scan3A_102 = arith.constant 30 : i32
    %scan3A_103 = arith.constant 5 : i32
    %scan3A_104 = arith.addi %scan3A_102, %scan3A_103 : i32
    %scan3A_105 = arith.constant 1 : i32
    %scan3A_106:3 = scf.for %scan3A_184 = %scan3A_102 to %scan3A_104 step %scan3A_105 iter_args(%scan3A_185 = %get3A_101, %scan3A_186 = %scan3A_93#1, %scan3A_187 = %scan3A_93#2) -> (vector<64x4480xf32>, vector<64x50xf32>, vector<64x50xi32>)  : i32 {
      %reduce_max3A_188 = arith.constant dense<0xFF800000> : vector<64xf32>
      %reduce_max3A_189 = vector.multi_reduction <maximumf>, %scan3A_185, %reduce_max3A_188 [1] : vector<64x4480xf32> to vector<64xf32>
      %broadcast_in_dim3A_190 = vector.shape_cast %reduce_max3A_189 : vector<64xf32> to vector<64x1xf32>
      %eq3A_191 = vector.broadcast %broadcast_in_dim3A_190 : vector<64x1xf32> to vector<64x4480xf32>
      %eq3A_192 = arith.cmpf oeq, %scan3A_185, %eq3A_191 : vector<64x4480xf32>
      %jit3A_193 = arith.constant 1073741824 : i32
      %broadcast_in_dim3A_194 = vector.broadcast %jit3A_193 : i32 to vector<64x4480xi32>
      %select_n3A_195 = arith.select %eq3A_192, %slice3A_98, %broadcast_in_dim3A_194 : vector<64x4480xi1>, vector<64x4480xi32>
      %reduce_min3A_196 = arith.constant dense<2147483647> : vector<64xi32>
      %reduce_min3A_197 = vector.multi_reduction <minsi>, %select_n3A_195, %reduce_min3A_196 [1] : vector<64x4480xi32> to vector<64xi32>
      %eq3A_198 = vector.broadcast %scan3A_184 : i32 to vector<64x50xi32>
      %eq3A_199 = arith.cmpi eq, %iota3A_17, %eq3A_198 : vector<64x50xi32>
      %broadcast_in_dim3A_200 = vector.shape_cast %broadcast_in_dim3A_190 : vector<64x1xf32> to vector<64x1xf32>
      %broadcast_in_dim3A_201 = vector.broadcast %broadcast_in_dim3A_200 : vector<64x1xf32> to vector<64x50xf32>
      %select_n3A_202 = arith.select %eq3A_199, %broadcast_in_dim3A_201, %scan3A_186 : vector<64x50xi1>, vector<64x50xf32>
      %eq3A_203 = vector.broadcast %scan3A_184 : i32 to vector<64x50xi32>
      %eq3A_204 = arith.cmpi eq, %iota3A_17, %eq3A_203 : vector<64x50xi32>
      %broadcast_in_dim3A_205 = vector.shape_cast %reduce_min3A_197 : vector<64xi32> to vector<64x1xi32>
      %broadcast_in_dim3A_206 = vector.shape_cast %broadcast_in_dim3A_205 : vector<64x1xi32> to vector<64x1xi32>
      %broadcast_in_dim3A_207 = vector.broadcast %broadcast_in_dim3A_206 : vector<64x1xi32> to vector<64x50xi32>
      %select_n3A_208 = arith.select %eq3A_204, %broadcast_in_dim3A_207, %scan3A_187 : vector<64x50xi1>, vector<64x50xi32>
      %broadcast_in_dim3A_209 = vector.shape_cast %reduce_min3A_197 : vector<64xi32> to vector<64x1xi32>
      %eq3A_210 = vector.broadcast %broadcast_in_dim3A_209 : vector<64x1xi32> to vector<64x4480xi32>
      %eq3A_211 = arith.cmpi eq, %slice3A_98, %eq3A_210 : vector<64x4480xi32>
      %jit3A_212 = arith.constant 0xFF800000 : f32
      %broadcast_in_dim3A_213 = vector.broadcast %jit3A_212 : f32 to vector<64x4480xf32>
      %select_n3A_214 = arith.select %eq3A_211, %broadcast_in_dim3A_213, %scan3A_185 : vector<64x4480xi1>, vector<64x4480xf32>
      scf.yield %select_n3A_214, %select_n3A_202, %select_n3A_208 : vector<64x4480xf32>, vector<64x50xf32>, vector<64x50xi32>
    }
    %scan3A_107 = arith.constant 5 : i32
    %swap3A_108 = arith.constant 0 : index
    %swap3A_109 = arith.constant 0 : index
    %swap3A_110 = vector.load %arg6[%swap3A_108, %swap3A_109] : memref<64x6400xf32, #tpu.memory_space<vmem>>, vector<64x4480xf32>
    tpu.vector_store %arg6[%swap3A_108, %swap3A_109], %scan3A_106#0 {strides = array<i32>} : memref<64x6400xf32, #tpu.memory_space<vmem>>, vector<64x4480xf32>,
    %slice3A_111 = vector.extract_strided_slice %reshape3A {offsets = [0, 0], sizes = [64, 5120], strides = [1, 1]} : vector<64x6400xi32> to vector<64x5120xi32>
    %get3A_112 = arith.constant 0 : index
    %get3A_113 = arith.constant 0 : index
    %get3A_114 = vector.load %arg6[%get3A_112, %get3A_113] : memref<64x6400xf32, #tpu.memory_space<vmem>>, vector<64x5120xf32>
    %scan3A_115 = arith.constant 35 : i32
    %scan3A_116 = arith.constant 5 : i32
    %scan3A_117 = arith.addi %scan3A_115, %scan3A_116 : i32
    %scan3A_118 = arith.constant 1 : i32
    %scan3A_119:3 = scf.for %scan3A_184 = %scan3A_115 to %scan3A_117 step %scan3A_118 iter_args(%scan3A_185 = %get3A_114, %scan3A_186 = %scan3A_106#1, %scan3A_187 = %scan3A_106#2) -> (vector<64x5120xf32>, vector<64x50xf32>, vector<64x50xi32>)  : i32 {
      %reduce_max3A_188 = arith.constant dense<0xFF800000> : vector<64xf32>
      %reduce_max3A_189 = vector.multi_reduction <maximumf>, %scan3A_185, %reduce_max3A_188 [1] : vector<64x5120xf32> to vector<64xf32>
      %broadcast_in_dim3A_190 = vector.shape_cast %reduce_max3A_189 : vector<64xf32> to vector<64x1xf32>
      %eq3A_191 = vector.broadcast %broadcast_in_dim3A_190 : vector<64x1xf32> to vector<64x5120xf32>
      %eq3A_192 = arith.cmpf oeq, %scan3A_185, %eq3A_191 : vector<64x5120xf32>
      %jit3A_193 = arith.constant 1073741824 : i32
      %broadcast_in_dim3A_194 = vector.broadcast %jit3A_193 : i32 to vector<64x5120xi32>
      %select_n3A_195 = arith.select %eq3A_192, %slice3A_111, %broadcast_in_dim3A_194 : vector<64x5120xi1>, vector<64x5120xi32>
      %reduce_min3A_196 = arith.constant dense<2147483647> : vector<64xi32>
      %reduce_min3A_197 = vector.multi_reduction <minsi>, %select_n3A_195, %reduce_min3A_196 [1] : vector<64x5120xi32> to vector<64xi32>
      %eq3A_198 = vector.broadcast %scan3A_184 : i32 to vector<64x50xi32>
      %eq3A_199 = arith.cmpi eq, %iota3A_17, %eq3A_198 : vector<64x50xi32>
      %broadcast_in_dim3A_200 = vector.shape_cast %broadcast_in_dim3A_190 : vector<64x1xf32> to vector<64x1xf32>
      %broadcast_in_dim3A_201 = vector.broadcast %broadcast_in_dim3A_200 : vector<64x1xf32> to vector<64x50xf32>
      %select_n3A_202 = arith.select %eq3A_199, %broadcast_in_dim3A_201, %scan3A_186 : vector<64x50xi1>, vector<64x50xf32>
      %eq3A_203 = vector.broadcast %scan3A_184 : i32 to vector<64x50xi32>
      %eq3A_204 = arith.cmpi eq, %iota3A_17, %eq3A_203 : vector<64x50xi32>
      %broadcast_in_dim3A_205 = vector.shape_cast %reduce_min3A_197 : vector<64xi32> to vector<64x1xi32>
      %broadcast_in_dim3A_206 = vector.shape_cast %broadcast_in_dim3A_205 : vector<64x1xi32> to vector<64x1xi32>
      %broadcast_in_dim3A_207 = vector.broadcast %broadcast_in_dim3A_206 : vector<64x1xi32> to vector<64x50xi32>
      %select_n3A_208 = arith.select %eq3A_204, %broadcast_in_dim3A_207, %scan3A_187 : vector<64x50xi1>, vector<64x50xi32>
      %broadcast_in_dim3A_209 = vector.shape_cast %reduce_min3A_197 : vector<64xi32> to vector<64x1xi32>
      %eq3A_210 = vector.broadcast %broadcast_in_dim3A_209 : vector<64x1xi32> to vector<64x5120xi32>
      %eq3A_211 = arith.cmpi eq, %slice3A_111, %eq3A_210 : vector<64x5120xi32>
      %jit3A_212 = arith.constant 0xFF800000 : f32
      %broadcast_in_dim3A_213 = vector.broadcast %jit3A_212 : f32 to vector<64x5120xf32>
      %select_n3A_214 = arith.select %eq3A_211, %broadcast_in_dim3A_213, %scan3A_185 : vector<64x5120xi1>, vector<64x5120xf32>
      scf.yield %select_n3A_214, %select_n3A_202, %select_n3A_208 : vector<64x5120xf32>, vector<64x50xf32>, vector<64x50xi32>
    }
    %scan3A_120 = arith.constant 5 : i32
    %swap3A_121 = arith.constant 0 : index
    %swap3A_122 = arith.constant 0 : index
    %swap3A_123 = vector.load %arg6[%swap3A_121, %swap3A_122] : memref<64x6400xf32, #tpu.memory_space<vmem>>, vector<64x5120xf32>
    tpu.vector_store %arg6[%swap3A_121, %swap3A_122], %scan3A_119#0 {strides = array<i32>} : memref<64x6400xf32, #tpu.memory_space<vmem>>, vector<64x5120xf32>,
    %slice3A_124 = vector.extract_strided_slice %reshape3A {offsets = [0, 0], sizes = [64, 5760], strides = [1, 1]} : vector<64x6400xi32> to vector<64x5760xi32>
    %get3A_125 = arith.constant 0 : index
    %get3A_126 = arith.constant 0 : index
    %get3A_127 = vector.load %arg6[%get3A_125, %get3A_126] : memref<64x6400xf32, #tpu.memory_space<vmem>>, vector<64x5760xf32>
    %scan3A_128 = arith.constant 40 : i32
    %scan3A_129 = arith.constant 5 : i32
    %scan3A_130 = arith.addi %scan3A_128, %scan3A_129 : i32
    %scan3A_131 = arith.constant 1 : i32
    %scan3A_132:3 = scf.for %scan3A_184 = %scan3A_128 to %scan3A_130 step %scan3A_131 iter_args(%scan3A_185 = %get3A_127, %scan3A_186 = %scan3A_119#1, %scan3A_187 = %scan3A_119#2) -> (vector<64x5760xf32>, vector<64x50xf32>, vector<64x50xi32>)  : i32 {
      %reduce_max3A_188 = arith.constant dense<0xFF800000> : vector<64xf32>
      %reduce_max3A_189 = vector.multi_reduction <maximumf>, %scan3A_185, %reduce_max3A_188 [1] : vector<64x5760xf32> to vector<64xf32>
      %broadcast_in_dim3A_190 = vector.shape_cast %reduce_max3A_189 : vector<64xf32> to vector<64x1xf32>
      %eq3A_191 = vector.broadcast %broadcast_in_dim3A_190 : vector<64x1xf32> to vector<64x5760xf32>
      %eq3A_192 = arith.cmpf oeq, %scan3A_185, %eq3A_191 : vector<64x5760xf32>
      %jit3A_193 = arith.constant 1073741824 : i32
      %broadcast_in_dim3A_194 = vector.broadcast %jit3A_193 : i32 to vector<64x5760xi32>
      %select_n3A_195 = arith.select %eq3A_192, %slice3A_124, %broadcast_in_dim3A_194 : vector<64x5760xi1>, vector<64x5760xi32>
      %reduce_min3A_196 = arith.constant dense<2147483647> : vector<64xi32>
      %reduce_min3A_197 = vector.multi_reduction <minsi>, %select_n3A_195, %reduce_min3A_196 [1] : vector<64x5760xi32> to vector<64xi32>
      %eq3A_198 = vector.broadcast %scan3A_184 : i32 to vector<64x50xi32>
      %eq3A_199 = arith.cmpi eq, %iota3A_17, %eq3A_198 : vector<64x50xi32>
      %broadcast_in_dim3A_200 = vector.shape_cast %broadcast_in_dim3A_190 : vector<64x1xf32> to vector<64x1xf32>
      %broadcast_in_dim3A_201 = vector.broadcast %broadcast_in_dim3A_200 : vector<64x1xf32> to vector<64x50xf32>
      %select_n3A_202 = arith.select %eq3A_199, %broadcast_in_dim3A_201, %scan3A_186 : vector<64x50xi1>, vector<64x50xf32>
      %eq3A_203 = vector.broadcast %scan3A_184 : i32 to vector<64x50xi32>
      %eq3A_204 = arith.cmpi eq, %iota3A_17, %eq3A_203 : vector<64x50xi32>
      %broadcast_in_dim3A_205 = vector.shape_cast %reduce_min3A_197 : vector<64xi32> to vector<64x1xi32>
      %broadcast_in_dim3A_206 = vector.shape_cast %broadcast_in_dim3A_205 : vector<64x1xi32> to vector<64x1xi32>
      %broadcast_in_dim3A_207 = vector.broadcast %broadcast_in_dim3A_206 : vector<64x1xi32> to vector<64x50xi32>
      %select_n3A_208 = arith.select %eq3A_204, %broadcast_in_dim3A_207, %scan3A_187 : vector<64x50xi1>, vector<64x50xi32>
      %broadcast_in_dim3A_209 = vector.shape_cast %reduce_min3A_197 : vector<64xi32> to vector<64x1xi32>
      %eq3A_210 = vector.broadcast %broadcast_in_dim3A_209 : vector<64x1xi32> to vector<64x5760xi32>
      %eq3A_211 = arith.cmpi eq, %slice3A_124, %eq3A_210 : vector<64x5760xi32>
      %jit3A_212 = arith.constant 0xFF800000 : f32
      %broadcast_in_dim3A_213 = vector.broadcast %jit3A_212 : f32 to vector<64x5760xf32>
      %select_n3A_214 = arith.select %eq3A_211, %broadcast_in_dim3A_213, %scan3A_185 : vector<64x5760xi1>, vector<64x5760xf32>
      scf.yield %select_n3A_214, %select_n3A_202, %select_n3A_208 : vector<64x5760xf32>, vector<64x50xf32>, vector<64x50xi32>
    }
    %scan3A_133 = arith.constant 5 : i32
    %swap3A_134 = arith.constant 0 : index
    %swap3A_135 = arith.constant 0 : index
    %swap3A_136 = vector.load %arg6[%swap3A_134, %swap3A_135] : memref<64x6400xf32, #tpu.memory_space<vmem>>, vector<64x5760xf32>
    tpu.vector_store %arg6[%swap3A_134, %swap3A_135], %scan3A_132#0 {strides = array<i32>} : memref<64x6400xf32, #tpu.memory_space<vmem>>, vector<64x5760xf32>,
    %get3A_137 = arith.constant 0 : index
    %get3A_138 = arith.constant 0 : index
    %get3A_139 = vector.load %arg6[%get3A_137, %get3A_138] : memref<64x6400xf32, #tpu.memory_space<vmem>>, vector<64x6400xf32>
    %scan3A_140 = arith.constant 45 : i32
    %scan3A_141 = arith.constant 5 : i32
    %scan3A_142 = arith.addi %scan3A_140, %scan3A_141 : i32
    %scan3A_143 = arith.constant 1 : i32
    %scan3A_144:3 = scf.for %scan3A_184 = %scan3A_140 to %scan3A_142 step %scan3A_143 iter_args(%scan3A_185 = %get3A_139, %scan3A_186 = %scan3A_132#1, %scan3A_187 = %scan3A_132#2) -> (vector<64x6400xf32>, vector<64x50xf32>, vector<64x50xi32>)  : i32 {
      %reduce_max3A_188 = arith.constant dense<0xFF800000> : vector<64xf32>
      %reduce_max3A_189 = vector.multi_reduction <maximumf>, %scan3A_185, %reduce_max3A_188 [1] : vector<64x6400xf32> to vector<64xf32>
      %broadcast_in_dim3A_190 = vector.shape_cast %reduce_max3A_189 : vector<64xf32> to vector<64x1xf32>
      %eq3A_191 = vector.broadcast %broadcast_in_dim3A_190 : vector<64x1xf32> to vector<64x6400xf32>
      %eq3A_192 = arith.cmpf oeq, %scan3A_185, %eq3A_191 : vector<64x6400xf32>
      %jit3A_193 = arith.constant 1073741824 : i32
      %broadcast_in_dim3A_194 = vector.broadcast %jit3A_193 : i32 to vector<64x6400xi32>
      %select_n3A_195 = arith.select %eq3A_192, %reshape3A, %broadcast_in_dim3A_194 : vector<64x6400xi1>, vector<64x6400xi32>
      %reduce_min3A_196 = arith.constant dense<2147483647> : vector<64xi32>
      %reduce_min3A_197 = vector.multi_reduction <minsi>, %select_n3A_195, %reduce_min3A_196 [1] : vector<64x6400xi32> to vector<64xi32>
      %eq3A_198 = vector.broadcast %scan3A_184 : i32 to vector<64x50xi32>
      %eq3A_199 = arith.cmpi eq, %iota3A_17, %eq3A_198 : vector<64x50xi32>
      %broadcast_in_dim3A_200 = vector.shape_cast %broadcast_in_dim3A_190 : vector<64x1xf32> to vector<64x1xf32>
      %broadcast_in_dim3A_201 = vector.broadcast %broadcast_in_dim3A_200 : vector<64x1xf32> to vector<64x50xf32>
      %select_n3A_202 = arith.select %eq3A_199, %broadcast_in_dim3A_201, %scan3A_186 : vector<64x50xi1>, vector<64x50xf32>
      %eq3A_203 = vector.broadcast %scan3A_184 : i32 to vector<64x50xi32>
      %eq3A_204 = arith.cmpi eq, %iota3A_17, %eq3A_203 : vector<64x50xi32>
      %broadcast_in_dim3A_205 = vector.shape_cast %reduce_min3A_197 : vector<64xi32> to vector<64x1xi32>
      %broadcast_in_dim3A_206 = vector.shape_cast %broadcast_in_dim3A_205 : vector<64x1xi32> to vector<64x1xi32>
      %broadcast_in_dim3A_207 = vector.broadcast %broadcast_in_dim3A_206 : vector<64x1xi32> to vector<64x50xi32>
      %select_n3A_208 = arith.select %eq3A_204, %broadcast_in_dim3A_207, %scan3A_187 : vector<64x50xi1>, vector<64x50xi32>
      %broadcast_in_dim3A_209 = vector.shape_cast %reduce_min3A_197 : vector<64xi32> to vector<64x1xi32>
      %eq3A_210 = vector.broadcast %broadcast_in_dim3A_209 : vector<64x1xi32> to vector<64x6400xi32>
      %eq3A_211 = arith.cmpi eq, %reshape3A, %eq3A_210 : vector<64x6400xi32>
      %jit3A_212 = arith.constant 0xFF800000 : f32
      %broadcast_in_dim3A_213 = vector.broadcast %jit3A_212 : f32 to vector<64x6400xf32>
      %select_n3A_214 = arith.select %eq3A_211, %broadcast_in_dim3A_213, %scan3A_185 : vector<64x6400xi1>, vector<64x6400xf32>
      scf.yield %select_n3A_214, %select_n3A_202, %select_n3A_208 : vector<64x6400xf32>, vector<64x50xf32>, vector<64x50xi32>
    }
    %scan3A_145 = arith.constant 5 : i32
    %slice3A_146 = vector.extract_strided_slice %scan3A_144#1 {offsets = [0, 0], sizes = [64, 1], strides = [1, 1]} : vector<64x50xf32> to vector<64x1xf32>
    %sub3A_147 = vector.broadcast %slice3A_146 : vector<64x1xf32> to vector<64x50xf32>
    %sub3A_148 = arith.subf %scan3A_144#1, %sub3A_147 : vector<64x50xf32>
    %exp3A = math.exp %sub3A_148 : vector<64x50xf32>
    %reduce_sum3A = arith.constant dense<0.000000e+00> : vector<64xf32>
    %reduce_sum3A_149 = vector.multi_reduction <add>, %exp3A, %reduce_sum3A [1] : vector<64x50xf32> to vector<64xf32>
    %broadcast_in_dim3A_150 = vector.shape_cast %reduce_sum3A_149 : vector<64xf32> to vector<64x1xf32>
    %div3A = vector.broadcast %broadcast_in_dim3A_150 : vector<64x1xf32> to vector<64x50xf32>
    %div3A_151 = arith.divf %exp3A, %div3A : vector<64x50xf32>
    %swap3A_152 = arith.constant 0 : index
    %swap3A_153 = arith.constant 0 : index
    %swap3A_154 = vector.load %arg4[%swap3A_152, %swap3A_153] : memref<64x50xf32, #tpu.memory_space<vmem>>, vector<64x50xf32>
    tpu.vector_store %arg4[%swap3A_152, %swap3A_153], %div3A_151 {strides = array<i32>} : memref<64x50xf32, #tpu.memory_space<vmem>>, vector<64x50xf32>,
    %swap3A_155 = arith.constant 0 : index
    %swap3A_156 = arith.constant 0 : index
    %swap3A_157 = vector.load %arg5[%swap3A_155, %swap3A_156] : memref<64x50xi32, #tpu.memory_space<vmem>>, vector<64x50xi32>
    tpu.vector_store %arg5[%swap3A_155, %swap3A_156], %scan3A_144#2 {strides = array<i32>} : memref<64x50xi32, #tpu.memory_space<vmem>>, vector<64x50xi32>,
    %add3A_158 = arith.constant 9.99999968E-21 : f32
    %add3A_159 = vector.broadcast %add3A_158 : f32 to vector<64x50xf32>
    %add3A_160 = arith.addf %div3A_151, %add3A_159 : vector<64x50xf32>
    %log3A = math.log %add3A_160 : vector<64x50xf32>
    %get3A_161 = arith.constant 0 : index
    %get3A_162 = arith.constant 0 : index
    %get3A_163 = vector.load %arg2[%get3A_161, %get3A_162] : memref<64x50xf32, #tpu.memory_space<vmem>>, vector<64x50xf32>
    %add3A_164 = arith.addf %log3A, %get3A_163 : vector<64x50xf32>
    %reduce_max3A = arith.constant dense<0xFF800000> : vector<64xf32>
    %reduce_max3A_165 = vector.multi_reduction <maximumf>, %add3A_164, %reduce_max3A [1] : vector<64x50xf32> to vector<64xf32>
    %broadcast_in_dim3A_166 = vector.shape_cast %reduce_max3A_165 : vector<64xf32> to vector<64x1xf32>
    %eq3A = vector.broadcast %broadcast_in_dim3A_166 : vector<64x1xf32> to vector<64x50xf32>
    %eq3A_167 = arith.cmpf oeq, %add3A_164, %eq3A : vector<64x50xf32>
    %jit3A_168 = arith.constant 1073741824 : i32
    %broadcast_in_dim3A_169 = vector.broadcast %jit3A_168 : i32 to vector<64x50xi32>
    %select_n3A_170 = arith.select %eq3A_167, %iota3A_17, %broadcast_in_dim3A_169 : vector<64x50xi1>, vector<64x50xi32>
    %reduce_min3A = arith.constant dense<2147483647> : vector<64xi32>
    %reduce_min3A_171 = vector.multi_reduction <minsi>, %select_n3A_170, %reduce_min3A [1] : vector<64x50xi32> to vector<64xi32>
    %broadcast_in_dim3A_172 = vector.shape_cast %reduce_min3A_171 : vector<64xi32> to vector<64x1xi32>
    %eq3A_173 = vector.broadcast %broadcast_in_dim3A_172 : vector<64x1xi32> to vector<64x50xi32>
    %eq3A_174 = arith.cmpi eq, %iota3A_17, %eq3A_173 : vector<64x50xi32>
    %jit3A_175 = arith.constant 0 : i32
    %broadcast_in_dim3A_176 = vector.broadcast %jit3A_175 : i32 to vector<64x50xi32>
    %select_n3A_177 = arith.select %eq3A_174, %scan3A_144#2, %broadcast_in_dim3A_176 : vector<64x50xi1>, vector<64x50xi32>
    %reduce_sum3A_178 = arith.constant dense<0> : vector<64xi32>
    %reduce_sum3A_179 = vector.multi_reduction <add>, %select_n3A_177, %reduce_sum3A_178 [1] : vector<64x50xi32> to vector<64xi32>
    %broadcast_in_dim3A_180 = vector.shape_cast %reduce_sum3A_179 : vector<64xi32> to vector<64x1xi32>
    %swap3A_181 = arith.constant 0 : index
    %swap3A_182 = arith.constant 0 : index
    %swap3A_183 = vector.load %arg3[%swap3A_181, %swap3A_182] : memref<64x1xi32, #tpu.memory_space<vmem>>, vector<64x1xi32>
    tpu.vector_store %arg3[%swap3A_181, %swap3A_182], %broadcast_in_dim3A_180 {strides = array<i32>} : memref<64x1xi32, #tpu.memory_space<vmem>>, vector<64x1xi32>,
    return
  }
}

</mosaic_0001>

<sc_bundles>
// kernel: kernel.6.cloned.1.call-start
scs
__scs_entry_jumppad:
0x0: {  	(pc) =	sbr.rel $0x88, $3  }
0x1: {  	(tag) =	ssettag $0x0;
	lr =	simm.s32 $0x1  }
0x2: {  	[smem:$0x3F9E] =	sst lr;
	_ =	strace $0xD0000000  }
0x3: {  	_ = 	snop  }
0x4: {  	_ = 	snop  }
0x5: {  	_ = 	snop  }
0x6: {  	_ = 	snop  }
0x7: {  	_ = 	snop  }
__scs_overlays_trampoline_lowered:
0x8: {  	[smem:$0x3FAD] =	sst s0  }
0x9: {  	[smem:$0x3FAE] =	sst s1  }
0xa: {  	[smem:$0x3FAF] =	sst s2  }
0xb: {  	[smem:$0x3FB0] =	sst s3  }
0xc: {  	[smem:$0x3FB1] =	sst s4  }
0xd: {  	[smem:$0x3FB2] =	sst s5  }
0xe: {  	[smem:$0x3FB3] =	sst s6  }
0xf: {  	[smem:$0x3FB4] =	sst s7  }
0x10: {  	[smem:$0x3FB5] =	sst s8  }
0x11: {  	[smem:$0x3FB6] =	sst s9;
	s0 =	simm.s32 @!p0 $0x0  }
0x12: {  	s1 =	sld [smem:$0x3F9C];
	s0 =	simm.s32 @p0 $0x1  }
0x13: {  	[smem:$0x3FB7] =	sst s0;
	s0 =	simm.s32 @!p1 $0x0  }
0x14: {  	s2 =	sld [smem:$0x3F9B];
	s0 =	simm.s32 @p1 $0x1  }
0x15: {  	[smem:$0x3FB8] =	sst s0;
	s0 =	simm.s32 @!p2 $0x0  }
0x16: {  	s3 =	sld [smem:$0x3FDB];
	s0 =	simm.s32 @p2 $0x1  }
0x17: {  	s4 =	simm.s32 $0x1BF5;
	[smem:$0x3FBA] =	sst s0  }
0x18: {  	s0 =	sld [smem:$0x3F9D];
	_ =	swait.ge [sflag:s4], $0x0  }
0x19: {  	s7 =	sld [smem:$0x3F9E]  }
0x1a: {  	s8 =	sadd.s32 $0xFFFFE003, lr  }
0x1b: {  	s9 =	sadd.s32 $0xFFFFFEF7, lr;
	s5 =	simm.s32 $0xFFFFFFFF;
	p2 =	slt.u32 s8, $0xFFFFF086  }
0x1c: {  	p1 =	slt.u32 s9, $0xF7A;
	s5 =	simm.s32 @!p2 $0x0  }
0x1d: {  	s5 =	simm.s32 @p1 $0x1;
	p0 =	seq.s32 s7, s2  }
0x1e: {  	s7 =	smul.u32 @!p0 $0xF7A, s2;
	p2 =	seq.s32 @!p0 s5, $0x0  }
0x1f: {  	s9 =	smul.u32 $0xF7A, s1;
	s8 =	simm.s32 @!p0 $0x1BF5;
	p2 =	por !p2, p0  }
0x20: {  	[sflag:s8] =	ssyncset.s32 @!p0 $0xFFFFF086;
	s6 =	sadd.s32 @!p0 s3, s7;
	s7 =	simm.s32 @!p0 $0x108  }
0x21: {  	s3 =	sadd.s32 s3, s9;
	s6 =	sadd.s32 @!p0 $0x88, s6;
	s7 =	simm.s32 @p2 $0x1082  }
0x22: {  	[simem:s7], [sflag:s8] =	dma.local @!p0 [hbm:s6], $0xF7A  }
0x23: {  	s9 =	sor.u32 $0xD0000000, s2;
	s6 =	simm.s32 $0x108;
	_ =	swait.ge @!p0 [sflag:s8], $0x0  }
0x24: {  	s3 =	sadd.s32 $0x88, s3;
	s6 =	simm.s32 @!p1 $0x1082;
	[sflag:s4] =	ssyncset.s32 $0xFFFFF086  }
0x25: {  	[simem:s6], [sflag:s4] =	dma.local [hbm:s3], $0xF7A  }
0x26: {  	[smem:$0x3F9E] =	sst s1;
	(tag) =	ssettag s2;
	_ =	strace s9  }
0x27: {  	s1 =	sld [smem:$0x3FAE]  }
0x28: {  	s2 =	sld [smem:$0x3FAF]  }
0x29: {  	s4 =	sld [smem:$0x3FB1]  }
0x2a: {  	p0 =	seq.s32 s5, $0x0;
	s5 =	sld [smem:$0x3FB2]  }
0x2b: {  	s6 =	sld [smem:$0x3FB3]  }
0x2c: {  	s7 =	sld [smem:$0x3FB4]  }
0x2d: {  	s3 =	simm.s32 $0x108;
	s8 =	sld [smem:$0x3FB5]  }
0x2e: {  	s3 =	simm.s32 @!p0 $0x1082;
	s9 =	sld [smem:$0x3FB6]  }
0x2f: {  	lr =	sadd.s32 s0, s3;
	s0 =	sld [smem:$0x3FAD]  }
0x30: {  	s3 =	sld [smem:$0x3FB0]  }
0x31: {  	[smem:$0x3FB9] =	sst s10  }
0x32: {  	s10 =	sld [smem:$0x3FB7];
	_ =	sdelay $0x3  }
0x33: {  	p0 =	seq.s32 s10, $0x1;
	s10 =	sld [smem:$0x3FB9];
	_ =	sdelay $0x3  }
0x34: {  	[smem:$0x3FB9] =	sst s10  }
0x35: {  	s10 =	sld [smem:$0x3FB8];
	_ =	sdelay $0x3  }
0x36: {  	p1 =	seq.s32 s10, $0x1;
	s10 =	sld [smem:$0x3FB9];
	_ =	sdelay $0x3  }
0x37: {  	[smem:$0x3FB9] =	sst s10  }
0x38: {  	s10 =	sld [smem:$0x3FBA]  }
0x39: {  	_ = 	snop;
	(pc) =	sbr.ind lr, $3  }
0x3a: {  	_ = 	snop  }
0x3b: {  	_ = 	snop  }
0x3c: {  	p2 =	seq.s32 s10, $0x1;
	s10 =	sld [smem:$0x3FB9]  }
0x3d: {  	_ =	shalt  }
0x3e: {  	_ =	shalt  }
0x3f: {  	_ =	shalt  }
0x40: {  	_ =	shalt  }
0x41: {  	_ =	shalt  }
0x42: {  	_ =	shalt  }
0x43: {  	_ =	shalt  }
0x44: {  	_ =	shalt  }
0x45: {  	_ =	shalt  }
0x46: {  	_ =	shalt  }
0x47: {  	_ =	shalt  }
0x48: {  	_ =	shalt  }
0x49: {  	_ =	shalt  }
0x4a: {  	_ =	shalt  }
0x4b: {  	_ =	shalt  }
0x4c: {  	_ =	shalt  }
0x4d: {  	_ =	shalt  }
0x4e: {  	_ =	shalt  }
0x4f: {  	_ =	shalt  }
0x50: {  	_ =	shalt  }
0x51: {  	_ =	shalt  }
0x52: {  	_ =	shalt  }
0x53: {  	_ =	shalt  }
0x54: {  	_ =	shalt  }
0x55: {  	_ =	shalt  }
0x56: {  	_ =	shalt  }
0x57: {  	_ =	shalt  }
0x58: {  	_ =	shalt  }
0x59: {  	_ =	shalt  }
0x5a: {  	_ =	shalt  }
0x5b: {  	_ =	shalt  }
0x5c: {  	_ =	shalt  }
0x5d: {  	_ =	shalt  }
0x5e: {  	_ =	shalt  }
0x5f: {  	_ =	shalt  }
0x60: {  	_ =	shalt  }
0x61: {  	_ =	shalt  }
0x62: {  	_ =	shalt  }
0x63: {  	_ =	shalt  }
0x64: {  	_ =	shalt  }
0x65: {  	_ =	shalt  }
0x66: {  	_ =	shalt  }
0x67: {  	_ =	shalt  }
0x68: {  	_ =	shalt  }
0x69: {  	_ =	shalt  }
0x6a: {  	_ =	shalt  }
0x6b: {  	_ =	shalt  }
0x6c: {  	_ =	shalt  }
0x6d: {  	_ =	shalt  }
0x6e: {  	_ =	shalt  }
0x6f: {  	_ =	shalt  }
0x70: {  	_ =	shalt  }
0x71: {  	_ =	shalt  }
0x72: {  	_ =	shalt  }
0x73: {  	_ =	shalt  }
0x74: {  	_ =	shalt  }
0x75: {  	_ =	shalt  }
0x76: {  	_ =	shalt  }
0x77: {  	_ =	shalt  }
0x78: {  	_ =	shalt  }
0x79: {  	_ =	shalt  }
0x7a: {  	_ =	shalt  }
0x7b: {  	_ =	shalt  }
0x7c: {  	_ =	shalt  }
0x7d: {  	_ =	shalt  }
0x7e: {  	_ =	shalt  }
0x7f: {  	_ =	shalt  }
0x80: {  	_ =	shalt  }
0x81: {  	_ =	shalt  }
0x82: {  	_ =	shalt  }
0x83: {  	_ =	shalt  }
0x84: {  	_ =	shalt  }
0x85: {  	_ =	shalt  }
0x86: {  	_ =	shalt  }
0x87: {  	_ =	shalt  }
.Lfunc_end0:
.L_simem_size_0:
called_computation_lowered:
.L_overlay_start_0:
0x88: {  	s2 =	sld [smem:$0x3FD9]  }
0x89: {  	s3 =	sld [smem:$0x3FFE];
	_ =	sdelay $0x1  }
0x8a: {  	s1 =	srdreg.scid  }
0x8b: {  	s0 =	sand.u32 $0x1, s1  }
0x8c: {  	s14 =	sshll.u32 s0, $0xA;
	s2 =	sadd.s32 s3, s2  }
0x8d: {  	s2 =	sadd.s32 s2, s14  }
0x8e: {  	[smem:$0x3FC5] =	sst s2  }
0x8f: {  	_ = 	snop  }
0x90: {  	s2 =	sld [smem:$0x3FD0];
	_ =	sdelay $0x2  }
0x91: {  	s4 =	simm.s32 $0xA;
	s5 =	simm.s32 $0x10;
	s15 =	sld [smem:$0x3FC8]  }
0x92: {  	[smem:s5], [sflag:s4] =	dma.local [hbm:s2], $0x1  }
0x93: {  	_ =	swait.eq [sflag:s4], $0x1  }
0x94: {  	[sflag:s4] =	ssyncset.done $0x0  }
0x95: {  	[sflag:s4] =	ssyncadd.s32 $0xFFFFFFFF  }
0x96: {  	s16 =	sld [smem:$0x10];
	(tm) =	ssettm $0x1  }
0x97: {  	s17 =	sld [smem:$0x3FFB];
	_ =	sdelay $0x3  }
0x98: {  	_ =	strace s17  }
0x99: {  	s4 =	sld [smem:$0x3FFC];
	_ =	sdelay $0x3  }
0x9a: {  	_ =	strace s4  }
0x9b: {  	s4 =	sld [smem:$0x3FFD];
	_ =	sdelay $0x3  }
0x9c: {  	_ =	strace s4  }
0x9d: {  	_ =	strace $0x8FFFFFFF  }
0x9e: {  	s18 =	sld [smem:$0x3FDB];
	_ =	sdelay $0x1  }
0x9f: {  	s19 =	simm.s32 $_scs_section_size  }
0xa0: {  	s6 =	simm.s32 $_size__tile_overlayer_lowered;
	s7 =	simm.s32 $_tile_overlayer_lowered  }
0xa1: {  	s22 =	simm.s32 $0x1BFF;
	s21 =	sshll.u32 s7, $0x1;
	s4 =	sadd.s32 s19, s18  }
0xa2: {  	s8 =	simm.s32 $0x0;
	s20 =	sshll.u32 s6, $0x1;
	s6 =	sadd.s32 s21, s4  }
0xa3: {  	[timem:s8], [sflag:s22] =	dma.local [hbm:s6], s20  }
0xa4: {  	_ =	swait.ge [sflag:s22], s20  }
0xa5: {  	s5 =	ssub.s32 $0x0, s20;
	[sflag:s22] =	ssyncset.done $0x0  }
0xa6: {  	[sflag:s22] =	ssyncadd.s32 s5;
	_ =	sdelay $0x1  }
0xa7: {  	s23 =	simm.s32 $0x1B8B  }
0xa8: {  	_ =	swait.ge [sflag:s23], $0x1  }
0xa9: {  	[sflag:s23] =	ssyncset.done $0x0  }
0xaa: {  	s25 =	simm.s32 $0x1B8E;
	s24 =	sld [smem:$0x3FFE];
	[sflag:s23] =	ssyncadd.s32 $0xFFFFFFFF  }
0xab: {  	s26 =	simm.s32 $execute0_lowered;
	[smem:$0x3FD2] =	sst s25  }
0xac: {  	s6 =	sshll.u32 s26, $0x1;
	_ =	strace $0x80000046;
	[dreg:$0x1] =	wrdreg $0xFFFFFFFF  }
0xad: {  	s28 =	simm.s32 $_size_execute0_lowered;
	s4 =	sadd.s32 s4, s6;
	[dreg:$0x0] =	wrdreg $0x0  }
0xae: {  	s6 =	sshll.u32 s28, $0x1;
	[dreg:$0x2] =	wrdreg s4  }
0xaf: {  	[dreg:$0x3] =	wrdreg s6  }
0xb0: {  	[dreg:$0x4] =	wrdreg $0xC0  }
0xb1: {  	_ =	task [dreg:s8], $0x5FFFF  }
0xb2: {  	[dreg:$0x1] =	wrdreg $0xFFFFFFFF  }
0xb3: {  	[dreg:$0x0] =	wrdreg $0x60  }
0xb4: {  	[dreg:$0x2] =	wrdreg s15  }
0xb5: {  	[dreg:$0x3] =	wrdreg s16  }
0xb6: {  	[dreg:$0x4] =	wrdreg s24  }
0xb7: {  	[dreg:$0x5] =	wrdreg $0x9  }
0xb8: {  	_ =	task.clear_ibuf [dreg:s8], $0x6FFFF;
	_ =	strace $0x90000046  }
0xb9: {  	s29 =	simm.s32 $0x9;
	_ =	strace $0x80000048  }
0xba: {  	_ =	swait.ge [sflag:s29], $0x1  }
0xbb: {  	[sflag:s29] =	ssyncadd.s32 $0xFFFFFFFF  }
0xbc: {  	_ =	strace $0x90000048  }
0xbd: {  	_ =	sfence  }
0xbe: {  	s30 =	sld [smem:$0x0];
	_ =	sdelay $0x2  }
0xbf: {  	s31 =	sshll.u32 s1, $0xD;
	s1 =	sshrl.u32 s1, $0x2  }
0xc0: {  	s3 =	sand.u32 $0x4000, s31;
	s1 =	sadd.s32 s1, s30  }
0xc1: {  	s0 =	sor.u32 s3, s0;
	s1 =	sshll.u32 s1, $0x11  }
0xc2: {  	s0 =	sor.u32 s1, s0  }
0xc3: {  	s0 =	sadd.s32 $0x8F2B, s0  }
0xc4: {  	[sflag:s0] =	ssyncadd.remote.s32 $0x1  }
0xc5: {  	_ =	sfence.sel $0xFFFF  }
0xc6: {  	[dreg:$0x0] =	wrdreg $0xFFFFFFFF;
	(pc) =	sbr.abs _section_cstart, $3  }
0xc7: {  	[dreg:$0x1] =	wrdreg $0xFFFFFFFF  }
0xc8: {  	_ =	task.clear_ibuf [dreg:s8], $0x2FFFF;
	_ =	strace $0x9FFFFFFF  }
0xc9: {  	(tm) =	ssettm $0x7FFFFFFF  }
tec
execute0_lowered:
.L_overlay_start_1:
0x0: {  	(tag) =	ssettag $0x1  }
0x1: {  	s1 =	stileid.u32  }
0x2: {  	p0 =	sgt.u32 s1, $0x3  }
.Ltmp0:
0x3: {  	s2 =	rddreg [dreg:$0x0];
	(pc) =	sbr.rel @p0 .LBB2_4-.Ltmp0, $4  }
0x4: {  	s4 =	rddreg [dreg:$0x1]  }
0x5: {  	s14 =	rddreg [dreg:$0x2];
	s3 =	simm.s32 $0x0  }
0x6: {  	[smem:$0x7FF] =	sst s3  }
0x7: {  	s0 =	rddreg [dreg:$0x3];
	_ =	strace $0x80000047  }
0x8: {  	s5 =	srdreg.scid  }
0x9: {  	s30 =	sshll.u32 s1, $0x1;
	s12 =	sand.u32 $0x1, s5  }
0xa: {  	s15 =	sor.u32 s12, s30  }
0xb: {  	s5 =	sadd.s32 s4, s15;
	s4 =	simm.s32 $0x2  }
0xc: {  	[tilespmem:s3], [sflag:$0x2] =	stream.linear.gather [hbm4b:s5+s3], $0x8, $0x38;
	[tilespmem:$0x2080] =	vst v63  }
0xd: {  	_ =	swait.ge [sflag:s4], $0x8  }
0xe: {  	[sflag:s4] =	ssyncset.done $0x0  }
0xf: {  	[sflag:s4] =	ssyncadd.s32 $0xFFFFFFF8  }
0x10: {  	v0 =	vld.msk [tilespmem:$0x0], $0xff;
	_ =	sdelay $0x4  }
0x11: {  	v1 =	vshll.u32 v0, $0x3  }
0x12: {  	v2 =	vlaneseq.u32;
	v3 =	vand.u32 $0x7, v0;
	v1 =	vand.u32 $0xFFFFFFC0, v1  }
0x13: {  	v0 =	vand.u32 $0x7, v2;
	v2 =	vshrl.u32 v2, $0x3;
	v3 =	vor.u32 v3, v1  }
0x14: {  	v1 =	vmul.u32 $0x8, v2;
	v2 =	vperm.xlane v3, v0;
	_ =	sdelay $0x1  }
0x15: {  	v2 =	vadd.s32 v1, v2;
	_ =	sdelay $0x2  }
0x16: {  	s6 =	simm.s32 $0x80;
	s7 =	sadd.s32 $0x100, s2  }
0x17: {  	vm0 =	vmmov $0xffff;
	s8 =	simm.s32 $0x880;
	s9 =	sadd.s32 $0x200, s2;
	s16 =	ssub.s32 $0x2, s12  }
0x18: {  	[tilespmem:s6], [sflag:$0x1] =	stream.indirect_vreg.gather [hbm4b:s2+s3], $0x80, v2, vm0, $0xb8;
	[tilespmem:$0x2080] =	vst v63  }
0x19: {  	s10 =	sadd.s32 $0x300, s2;
	s11 =	simm.s32 $0x1080;
	s17 =	sshrl.u32 s16, $0x1  }
0x1a: {  	[tilespmem:s8], [sflag:$0x1] =	stream.indirect_vreg.gather [hbm4b:s7+s3], $0x80, v2, vm0, $0xb8;
	[tilespmem:$0x2080] =	vst v63  }
0x1b: {  	s13 =	simm.s32 $0x1;
	s15 =	sshll.u32 s15, $0xA;
	s31 =	ssub.s32 s16, s17  }
0x1c: {  	[tilespmem:s11], [sflag:$0x1] =	stream.indirect_vreg.gather [hbm4b:s9+s3], $0x80, v2, vm0, $0xb8;
	[tilespmem:$0x2080] =	vst v63  }
0x1d: {  	s12 =	simm.s32 $0x1880;
	s14 =	sadd.s32 s15, s14;
	s15 =	smax.u32 s31, $0x1  }
0x1e: {  	[tilespmem:s12], [sflag:$0x1] =	stream.indirect_vreg.gather [hbm4b:s10+s3], $0x80, v2, vm0, $0xb8;
	[tilespmem:$0x2080] =	vst v63  }
0x1f: {  	p0 =	sne.s32 s15, $0x1;
	_ =	swait.ge [sflag:s13], $0x2000  }
.Ltmp1:
0x20: {  	[sflag:s13] =	ssyncset.done $0x0;
	(pc) =	sbr.rel @!p0 .LBB2_3-.Ltmp1, $4  }
0x21: {  	s14 =	sadd.s32 $0xC00, s14;
	[sflag:s13] =	ssyncadd.s32 $0xFFFFE000  }
0x22: {  	[hbm4b:s14+s3] =	stream.linear.scatter [tilespmem:s6], [sflag:$0x2], $0x2000, $0x38;
	[tilespmem:$0x2080] =	vst v63  }
0x23: {  	_ =	swait.ge [sflag:s4], $0x2000  }
0x24: {  	s15 =	sadd.s32 $0xFFFFFFFF, s15;
	[sflag:s4] =	ssyncset.done $0x0  }
.LBB2_2:
0x25: {  	p0 =	sne.s32 s15, $0x1;
	s15 =	sadd.s32 $0xFFFFFFFF, s15;
	[sflag:s4] =	ssyncadd.s32 $0xFFFFE000  }
0x26: {  	[tilespmem:s3], [sflag:$0x2] =	stream.linear.gather [hbm4b:s5+s3], $0x8, $0x38;
	[tilespmem:$0x2080] =	vst v63  }
0x27: {  	_ =	swait.ge [sflag:s4], $0x8  }
0x28: {  	[sflag:s4] =	ssyncset.done $0x0  }
0x29: {  	[sflag:s4] =	ssyncadd.s32 $0xFFFFFFF8  }
0x2a: {  	v2 =	vld.msk [tilespmem:$0x0], $0xff;
	_ =	sdelay $0x4  }
0x2b: {  	v3 =	vshll.u32 v2, $0x3  }
0x2c: {  	v2 =	vand.u32 $0x7, v2;
	v3 =	vand.u32 $0xFFFFFFC0, v3  }
0x2d: {  	v2 =	vor.u32 v2, v3  }
0x2e: {  	v2 =	vperm.xlane v2, v0;
	_ =	sdelay $0x1  }
0x2f: {  	v2 =	vadd.s32 v1, v2;
	_ =	sdelay $0x4  }
0x30: {  	[tilespmem:s6], [sflag:$0x1] =	stream.indirect_vreg.gather [hbm4b:s2+s3], $0x80, v2, vm0, $0xb8;
	[tilespmem:$0x2080] =	vst v63  }
0x31: {  	_ = 	snop  }
0x32: {  	[tilespmem:s8], [sflag:$0x1] =	stream.indirect_vreg.gather [hbm4b:s7+s3], $0x80, v2, vm0, $0xb8;
	[tilespmem:$0x2080] =	vst v63  }
0x33: {  	_ = 	snop  }
0x34: {  	[tilespmem:s11], [sflag:$0x1] =	stream.indirect_vreg.gather [hbm4b:s9+s3], $0x80, v2, vm0, $0xb8;
	[tilespmem:$0x2080] =	vst v63  }
0x35: {  	_ = 	snop  }
0x36: {  	[tilespmem:s12], [sflag:$0x1] =	stream.indirect_vreg.gather [hbm4b:s10+s3], $0x80, v2, vm0, $0xb8;
	[tilespmem:$0x2080] =	vst v63  }
0x37: {  	_ =	swait.ge [sflag:s13], $0x2000  }
.Ltmp2:
0x38: {  	[sflag:s13] =	ssyncset.done $0x0;
	(pc) =	sbr.rel @p0 .LBB2_2-.Ltmp2, $4  }
0x39: {  	[sflag:s13] =	ssyncadd.s32 $0xFFFFE000  }
0x3a: {  	[hbm4b:s14+s3] =	stream.linear.scatter [tilespmem:s6], [sflag:$0x2], $0x2000, $0x38;
	[tilespmem:$0x2080] =	vst v63  }
0x3b: {  	_ =	swait.ge [sflag:s4], $0x2000  }
0x3c: {  	[sflag:s4] =	ssyncset.done $0x0  }
.LBB2_3:
0x3d: {  	[sflag:s4] =	ssyncadd.s32 $0xFFFFE000  }
.LBB2_4:
0x3e: {  	_ =	sfence.sel $0x180000  }
0x3f: {  	[bflag:$0x0] =	sbarrier.arrive $0xFFFF  }
0x40: {  	p0 =	sne.s32 s1, $0x0;
	_ =	strace $0x90000047  }
0x41: {  	s0 =	sadd.s32 @!p0 $0x100000, s0;
	[bflag:$0x2] =	sbarrier.arrive $0xFFFF  }
0x42: {  	[sflag:s0] =	ssyncadd.tile.s32 @!p0 $0x1;
	_ =	shalt  }
.Lfunc_end2:
_tile_overlayer_lowered:
.L_overlay_start_2:
0x43: {  	(tag) =	ssettag $0x2  }
0x44: {  	s0 =	rddreg [dreg:$0x0];
	s2 =	stileid.u32  }
0x45: {  	s1 =	rddreg [dreg:$0x1];
	p0 =	sne.s32 s2, $0x0  }
0x46: {  	s3 =	rddreg [dreg:$0x2];
	[bflag:$0x3] =	sbarrier.arrive $0xFFFF;
	s2 =	simm.s32 @!p0 $0x1C02  }
0x47: {  	[timem:s3], [sflag:s2] =	dma.local @!p0 [hbm:s0], s1  }
0x48: {  	s0 =	simm.s32 @!p0 $0x2  }
0x49: {  	_ =	swait.ge @!p0 [sflag:s0], s1  }
0x4a: {  	s1 =	ssub.s32 @!p0 $0x0, s1;
	[sflag:s0] =	ssyncset.done @!p0 $0x0  }
0x4b: {  	[sflag:s0] =	ssyncadd.s32 @!p0 s1  }
0x4c: {  	[bflag:$0x3] =	sbarrier.arrive $0xFFFF  }
0x4d: {  	_ =	shalt  }

// kernel: kernel.9.cloned.1.call-start
scs
__scs_entry_jumppad:
0x0: {  	(pc) =	sbr.rel $0x88, $3  }
0x1: {  	(tag) =	ssettag $0x0;
	lr =	simm.s32 $0x1  }
0x2: {  	[smem:$0x3F9E] =	sst lr;
	_ =	strace $0xD0000000  }
0x3: {  	_ = 	snop  }
0x4: {  	_ = 	snop  }
0x5: {  	_ = 	snop  }
0x6: {  	_ = 	snop  }
0x7: {  	_ = 	snop  }
__scs_overlays_trampoline_lowered:
0x8: {  	[smem:$0x3FAD] =	sst s0  }
0x9: {  	[smem:$0x3FAE] =	sst s1  }
0xa: {  	[smem:$0x3FAF] =	sst s2  }
0xb: {  	[smem:$0x3FB0] =	sst s3  }
0xc: {  	[smem:$0x3FB1] =	sst s4  }
0xd: {  	[smem:$0x3FB2] =	sst s5  }
0xe: {  	[smem:$0x3FB3] =	sst s6  }
0xf: {  	[smem:$0x3FB4] =	sst s7  }
0x10: {  	[smem:$0x3FB5] =	sst s8  }
0x11: {  	[smem:$0x3FB6] =	sst s9;
	s0 =	simm.s32 @!p0 $0x0  }
0x12: {  	s1 =	sld [smem:$0x3F9C];
	s0 =	simm.s32 @p0 $0x1  }
0x13: {  	[smem:$0x3FB7] =	sst s0;
	s0 =	simm.s32 @!p1 $0x0  }
0x14: {  	s2 =	sld [smem:$0x3F9B];
	s0 =	simm.s32 @p1 $0x1  }
0x15: {  	[smem:$0x3FB8] =	sst s0;
	s0 =	simm.s32 @!p2 $0x0  }
0x16: {  	s3 =	sld [smem:$0x3FDB];
	s0 =	simm.s32 @p2 $0x1  }
0x17: {  	s4 =	simm.s32 $0x1BF5;
	[smem:$0x3FBA] =	sst s0  }
0x18: {  	s0 =	sld [smem:$0x3F9D];
	_ =	swait.ge [sflag:s4], $0x0  }
0x19: {  	s7 =	sld [smem:$0x3F9E]  }
0x1a: {  	s8 =	sadd.s32 $0xFFFFE003, lr  }
0x1b: {  	s9 =	sadd.s32 $0xFFFFFEF7, lr;
	s5 =	simm.s32 $0xFFFFFFFF;
	p2 =	slt.u32 s8, $0xFFFFF086  }
0x1c: {  	p1 =	slt.u32 s9, $0xF7A;
	s5 =	simm.s32 @!p2 $0x0  }
0x1d: {  	s5 =	simm.s32 @p1 $0x1;
	p0 =	seq.s32 s7, s2  }
0x1e: {  	s7 =	smul.u32 @!p0 $0xF7A, s2;
	p2 =	seq.s32 @!p0 s5, $0x0  }
0x1f: {  	s9 =	smul.u32 $0xF7A, s1;
	s8 =	simm.s32 @!p0 $0x1BF5;
	p2 =	por !p2, p0  }
0x20: {  	[sflag:s8] =	ssyncset.s32 @!p0 $0xFFFFF086;
	s6 =	sadd.s32 @!p0 s3, s7;
	s7 =	simm.s32 @!p0 $0x108  }
0x21: {  	s3 =	sadd.s32 s3, s9;
	s6 =	sadd.s32 @!p0 $0x88, s6;
	s7 =	simm.s32 @p2 $0x1082  }
0x22: {  	[simem:s7], [sflag:s8] =	dma.local @!p0 [hbm:s6], $0xF7A  }
0x23: {  	s9 =	sor.u32 $0xD0000000, s2;
	s6 =	simm.s32 $0x108;
	_ =	swait.ge @!p0 [sflag:s8], $0x0  }
0x24: {  	s3 =	sadd.s32 $0x88, s3;
	s6 =	simm.s32 @!p1 $0x1082;
	[sflag:s4] =	ssyncset.s32 $0xFFFFF086  }
0x25: {  	[simem:s6], [sflag:s4] =	dma.local [hbm:s3], $0xF7A  }
0x26: {  	[smem:$0x3F9E] =	sst s1;
	(tag) =	ssettag s2;
	_ =	strace s9  }
0x27: {  	s1 =	sld [smem:$0x3FAE]  }
0x28: {  	s2 =	sld [smem:$0x3FAF]  }
0x29: {  	s4 =	sld [smem:$0x3FB1]  }
0x2a: {  	p0 =	seq.s32 s5, $0x0;
	s5 =	sld [smem:$0x3FB2]  }
0x2b: {  	s6 =	sld [smem:$0x3FB3]  }
0x2c: {  	s7 =	sld [smem:$0x3FB4]  }
0x2d: {  	s3 =	simm.s32 $0x108;
	s8 =	sld [smem:$0x3FB5]  }
0x2e: {  	s3 =	simm.s32 @!p0 $0x1082;
	s9 =	sld [smem:$0x3FB6]  }
0x2f: {  	lr =	sadd.s32 s0, s3;
	s0 =	sld [smem:$0x3FAD]  }
0x30: {  	s3 =	sld [smem:$0x3FB0]  }
0x31: {  	[smem:$0x3FB9] =	sst s10  }
0x32: {  	s10 =	sld [smem:$0x3FB7];
	_ =	sdelay $0x3  }
0x33: {  	p0 =	seq.s32 s10, $0x1;
	s10 =	sld [smem:$0x3FB9];
	_ =	sdelay $0x3  }
0x34: {  	[smem:$0x3FB9] =	sst s10  }
0x35: {  	s10 =	sld [smem:$0x3FB8];
	_ =	sdelay $0x3  }
0x36: {  	p1 =	seq.s32 s10, $0x1;
	s10 =	sld [smem:$0x3FB9];
	_ =	sdelay $0x3  }
0x37: {  	[smem:$0x3FB9] =	sst s10  }
0x38: {  	s10 =	sld [smem:$0x3FBA]  }
0x39: {  	_ = 	snop;
	(pc) =	sbr.ind lr, $3  }
0x3a: {  	_ = 	snop  }
0x3b: {  	_ = 	snop  }
0x3c: {  	p2 =	seq.s32 s10, $0x1;
	s10 =	sld [smem:$0x3FB9]  }
0x3d: {  	_ =	shalt  }
0x3e: {  	_ =	shalt  }
0x3f: {  	_ =	shalt  }
0x40: {  	_ =	shalt  }
0x41: {  	_ =	shalt  }
0x42: {  	_ =	shalt  }
0x43: {  	_ =	shalt  }
0x44: {  	_ =	shalt  }
0x45: {  	_ =	shalt  }
0x46: {  	_ =	shalt  }
0x47: {  	_ =	shalt  }
0x48: {  	_ =	shalt  }
0x49: {  	_ =	shalt  }
0x4a: {  	_ =	shalt  }
0x4b: {  	_ =	shalt  }
0x4c: {  	_ =	shalt  }
0x4d: {  	_ =	shalt  }
0x4e: {  	_ =	shalt  }
0x4f: {  	_ =	shalt  }
0x50: {  	_ =	shalt  }
0x51: {  	_ =	shalt  }
0x52: {  	_ =	shalt  }
0x53: {  	_ =	shalt  }
0x54: {  	_ =	shalt  }
0x55: {  	_ =	shalt  }
0x56: {  	_ =	shalt  }
0x57: {  	_ =	shalt  }
0x58: {  	_ =	shalt  }
0x59: {  	_ =	shalt  }
0x5a: {  	_ =	shalt  }
0x5b: {  	_ =	shalt  }
0x5c: {  	_ =	shalt  }
0x5d: {  	_ =	shalt  }
0x5e: {  	_ =	shalt  }
0x5f: {  	_ =	shalt  }
0x60: {  	_ =	shalt  }
0x61: {  	_ =	shalt  }
0x62: {  	_ =	shalt  }
0x63: {  	_ =	shalt  }
0x64: {  	_ =	shalt  }
0x65: {  	_ =	shalt  }
0x66: {  	_ =	shalt  }
0x67: {  	_ =	shalt  }
0x68: {  	_ =	shalt  }
0x69: {  	_ =	shalt  }
0x6a: {  	_ =	shalt  }
0x6b: {  	_ =	shalt  }
0x6c: {  	_ =	shalt  }
0x6d: {  	_ =	shalt  }
0x6e: {  	_ =	shalt  }
0x6f: {  	_ =	shalt  }
0x70: {  	_ =	shalt  }
0x71: {  	_ =	shalt  }
0x72: {  	_ =	shalt  }
0x73: {  	_ =	shalt  }
0x74: {  	_ =	shalt  }
0x75: {  	_ =	shalt  }
0x76: {  	_ =	shalt  }
0x77: {  	_ =	shalt  }
0x78: {  	_ =	shalt  }
0x79: {  	_ =	shalt  }
0x7a: {  	_ =	shalt  }
0x7b: {  	_ =	shalt  }
0x7c: {  	_ =	shalt  }
0x7d: {  	_ =	shalt  }
0x7e: {  	_ =	shalt  }
0x7f: {  	_ =	shalt  }
0x80: {  	_ =	shalt  }
0x81: {  	_ =	shalt  }
0x82: {  	_ =	shalt  }
0x83: {  	_ =	shalt  }
0x84: {  	_ =	shalt  }
0x85: {  	_ =	shalt  }
0x86: {  	_ =	shalt  }
0x87: {  	_ =	shalt  }
.Lfunc_end0:
.L_simem_size_0:
called_computation.1_lowered:
.L_overlay_start_0:
0x88: {  	s2 =	sld [smem:$0x3FD9]  }
0x89: {  	s3 =	sld [smem:$0x3FFE];
	_ =	sdelay $0x1  }
0x8a: {  	s1 =	srdreg.scid  }
0x8b: {  	s0 =	sand.u32 $0x1, s1  }
0x8c: {  	s14 =	sshll.u32 s0, $0xA;
	s2 =	sadd.s32 s3, s2  }
0x8d: {  	s2 =	sadd.s32 s2, s14  }
0x8e: {  	[smem:$0x3FC5] =	sst s2  }
0x8f: {  	_ = 	snop  }
0x90: {  	s2 =	sld [smem:$0x3FD0];
	_ =	sdelay $0x2  }
0x91: {  	s15 =	simm.s32 $0xA;
	s4 =	simm.s32 $0x10  }
0x92: {  	[smem:s4], [sflag:s15] =	dma.local [hbm:s2], $0x1  }
0x93: {  	_ =	swait.eq [sflag:s15], $0x1  }
0x94: {  	[sflag:s15] =	ssyncset.done $0x0  }
0x95: {  	[sflag:s15] =	ssyncadd.s32 $0xFFFFFFFF  }
0x96: {  	s16 =	sld [smem:$0x12];
	(tm) =	ssettm $0x1  }
0x97: {  	s17 =	sld [smem:$0x3FFB];
	_ =	sdelay $0x3  }
0x98: {  	_ =	strace s17  }
0x99: {  	s3 =	sld [smem:$0x3FFC];
	_ =	sdelay $0x3  }
0x9a: {  	_ =	strace s3  }
0x9b: {  	s3 =	sld [smem:$0x3FFD];
	_ =	sdelay $0x3  }
0x9c: {  	_ =	strace s3  }
0x9d: {  	_ =	strace $0x8FFFFFFF  }
0x9e: {  	s18 =	sld [smem:$0x3FDB];
	_ =	sdelay $0x1  }
0x9f: {  	s19 =	simm.s32 $_scs_section_size  }
0xa0: {  	s5 =	simm.s32 $_size__tile_overlayer_lowered;
	s6 =	simm.s32 $_tile_overlayer_lowered  }
0xa1: {  	s22 =	simm.s32 $0x1BFF;
	s21 =	sshll.u32 s6, $0x1;
	s3 =	sadd.s32 s19, s18  }
0xa2: {  	s7 =	simm.s32 $0x0;
	s20 =	sshll.u32 s5, $0x1;
	s5 =	sadd.s32 s21, s3  }
0xa3: {  	[timem:s7], [sflag:s22] =	dma.local [hbm:s5], s20  }
0xa4: {  	_ =	swait.ge [sflag:s22], s20  }
0xa5: {  	s4 =	ssub.s32 $0x0, s20;
	[sflag:s22] =	ssyncset.done $0x0  }
0xa6: {  	[sflag:s22] =	ssyncadd.s32 s4;
	_ =	sdelay $0x1  }
0xa7: {  	s23 =	simm.s32 $0x1B8B  }
0xa8: {  	_ =	swait.ge [sflag:s23], $0x1  }
0xa9: {  	[sflag:s23] =	ssyncset.done $0x0  }
0xaa: {  	s25 =	simm.s32 $0x1B8E;
	s24 =	sld [smem:$0x3FFE];
	[sflag:s23] =	ssyncadd.s32 $0xFFFFFFFF  }
0xab: {  	s26 =	simm.s32 $execute0_lowered;
	[smem:$0x3FD2] =	sst s25  }
0xac: {  	s5 =	sshll.u32 s26, $0x1;
	_ =	strace $0x80000049;
	[dreg:$0x1] =	wrdreg $0xFFFFFFFF  }
0xad: {  	s28 =	simm.s32 $_size_execute0_lowered;
	s3 =	sadd.s32 s3, s5;
	[dreg:$0x0] =	wrdreg $0x0  }
0xae: {  	s5 =	sshll.u32 s28, $0x1;
	[dreg:$0x2] =	wrdreg s3  }
0xaf: {  	[dreg:$0x3] =	wrdreg s5  }
0xb0: {  	[dreg:$0x4] =	wrdreg $0xC0  }
0xb1: {  	_ =	task [dreg:s7], $0x5FFFF  }
0xb2: {  	[dreg:$0x1] =	wrdreg $0xFFFFFFFF  }
0xb3: {  	[dreg:$0x0] =	wrdreg $0x60  }
0xb4: {  	[dreg:$0x2] =	wrdreg s24  }
0xb5: {  	[dreg:$0x3] =	wrdreg s16  }
0xb6: {  	[dreg:$0x4] =	wrdreg $0x9  }
0xb7: {  	_ =	task.clear_ibuf [dreg:s7], $0x5FFFF;
	_ =	strace $0x90000049  }
0xb8: {  	s29 =	simm.s32 $0x9;
	_ =	strace $0x8000004B  }
0xb9: {  	_ =	swait.ge [sflag:s29], $0x1  }
0xba: {  	[sflag:s29] =	ssyncadd.s32 $0xFFFFFFFF  }
0xbb: {  	_ =	strace $0x9000004B  }
0xbc: {  	_ =	sfence  }
0xbd: {  	s30 =	sld [smem:$0x0];
	_ =	sdelay $0x2  }
0xbe: {  	s31 =	sshll.u32 s1, $0xD;
	s1 =	sshrl.u32 s1, $0x2  }
0xbf: {  	s3 =	sand.u32 $0x4000, s31;
	s1 =	sadd.s32 s1, s30  }
0xc0: {  	s0 =	sor.u32 s3, s0;
	s1 =	sshll.u32 s1, $0x11  }
0xc1: {  	s0 =	sor.u32 s1, s0  }
0xc2: {  	s0 =	sadd.s32 $0x8F2B, s0  }
0xc3: {  	[sflag:s0] =	ssyncadd.remote.s32 $0x1  }
0xc4: {  	_ =	sfence.sel $0xFFFF  }
0xc5: {  	[dreg:$0x0] =	wrdreg $0xFFFFFFFF;
	(pc) =	sbr.abs _section_cstart, $3  }
0xc6: {  	[dreg:$0x1] =	wrdreg $0xFFFFFFFF  }
0xc7: {  	_ =	task.clear_ibuf [dreg:s7], $0x2FFFF;
	_ =	strace $0x9FFFFFFF  }
0xc8: {  	(tm) =	ssettm $0x7FFFFFFF  }
0xc9: {  	_ =	shalt  }
tec
execute0_lowered:
.L_overlay_start_1:
0x0: {  	(tag) =	ssettag $0x1  }
0x1: {  	s1 =	srdreg.scid;
	s0 =	stileid.u32  }
0x2: {  	s6 =	sand.u32 $0x1, s1;
	s4 =	sshll.u32 s0, $0x1  }
0x3: {  	s9 =	sor.u32 s6, s4  }
0x4: {  	p0 =	sgt.u32 s9, $0x18  }
.Ltmp0:
0x5: {  	_ = 	snop;
	(pc) =	sbr.rel @p0 .LBB2_4-.Ltmp0, $4  }
0x6: {  	s8 =	rddreg [dreg:$0x0]  }
0x7: {  	s3 =	rddreg [dreg:$0x1];
	s2 =	simm.s32 $0x0  }
0x8: {  	[smem:$0x7FF] =	sst s2  }
0x9: {  	s1 =	rddreg [dreg:$0x2];
	_ =	strace $0x8000004A  }
0xa: {  	s4 =	sshll.u32 s9, $0x4;
	s5 =	sadd.s32 $0xC00, s8  }
0xb: {  	s10 =	ssub.s32 $0x2, s6;
	s4 =	sadd.s32 s3, s4;
	s3 =	simm.s32 $0x2  }
0xc: {  	[tilespmem:s2], [sflag:$0x2] =	stream.linear.gather [hbm4b:s4+s2], $0x80, $0x38;
	[tilespmem:$0x4080] =	vst v63  }
0xd: {  	s6 =	simm.s32 $0x80;
	s11 =	sshrl.u32 s10, $0x1;
	_ =	swait.ge [sflag:s3], $0x80  }
0xe: {  	s7 =	simm.s32 $0x1;
	s31 =	ssub.s32 s10, s11;
	[sflag:s3] =	ssyncset.done $0x0  }
0xf: {  	s29 =	sshll.u32 s9, $0xB;
	s9 =	smax.u32 s31, $0x1;
	[sflag:s3] =	ssyncadd.s32 $0xFFFFFF80  }
0x10: {  	[tilespmem:s6], [sflag:$0x1] =	stream.indirect.gather [hbm4b:s5+s6], $0x80, s2, s6, $0xb8;
	[tilespmem:$0x4080] =	vst v63  }
0x11: {  	p0 =	sne.s32 s9, $0x1;
	_ =	swait.ge [sflag:s7], $0x4000  }
.Ltmp1:
0x12: {  	s30 =	sadd.s32 s29, s8;
	[sflag:s7] =	ssyncset.done $0x0;
	(pc) =	sbr.rel @!p0 .LBB2_3-.Ltmp1, $4  }
0x13: {  	s8 =	sadd.s32 $0xC4C00, s30;
	[sflag:s7] =	ssyncadd.s32 $0xFFFFC000  }
0x14: {  	[hbm4b:s8+s2] =	stream.linear.scatter [tilespmem:s6], [sflag:$0x2], $0x4000, $0x38;
	[tilespmem:$0x4080] =	vst v63  }
0x15: {  	_ =	swait.ge [sflag:s3], $0x4000  }
0x16: {  	s9 =	sadd.s32 $0xFFFFFFFF, s9;
	[sflag:s3] =	ssyncset.done $0x0  }
.LBB2_2:
0x17: {  	p0 =	sne.s32 s9, $0x1;
	s9 =	sadd.s32 $0xFFFFFFFF, s9;
	[sflag:s3] =	ssyncadd.s32 $0xFFFFC000  }
0x18: {  	[tilespmem:s2], [sflag:$0x2] =	stream.linear.gather [hbm4b:s4+s2], $0x80, $0x38;
	[tilespmem:$0x4080] =	vst v63  }
0x19: {  	_ =	swait.ge [sflag:s3], $0x80  }
0x1a: {  	[sflag:s3] =	ssyncset.done $0x0  }
0x1b: {  	[sflag:s3] =	ssyncadd.s32 $0xFFFFFF80  }
0x1c: {  	[tilespmem:s6], [sflag:$0x1] =	stream.indirect.gather [hbm4b:s5+s6], $0x80, s2, s6, $0xb8;
	[tilespmem:$0x4080] =	vst v63  }
0x1d: {  	_ =	swait.ge [sflag:s7], $0x4000  }
.Ltmp2:
0x1e: {  	[sflag:s7] =	ssyncset.done $0x0;
	(pc) =	sbr.rel @p0 .LBB2_2-.Ltmp2, $4  }
0x1f: {  	[sflag:s7] =	ssyncadd.s32 $0xFFFFC000  }
0x20: {  	[hbm4b:s8+s2] =	stream.linear.scatter [tilespmem:s6], [sflag:$0x2], $0x4000, $0x38;
	[tilespmem:$0x4080] =	vst v63  }
0x21: {  	_ =	swait.ge [sflag:s3], $0x4000  }
0x22: {  	[sflag:s3] =	ssyncset.done $0x0  }
.LBB2_3:
0x23: {  	[sflag:s3] =	ssyncadd.s32 $0xFFFFC000  }
.LBB2_4:
0x24: {  	_ =	sfence.sel $0x180000  }
0x25: {  	[bflag:$0x0] =	sbarrier.arrive $0xFFFF  }
0x26: {  	p0 =	sne.s32 s0, $0x0;
	_ =	strace $0x9000004A  }
0x27: {  	s0 =	sadd.s32 @!p0 $0x100000, s1;
	[bflag:$0x2] =	sbarrier.arrive $0xFFFF  }
0x28: {  	[sflag:s0] =	ssyncadd.tile.s32 @!p0 $0x1;
	_ =	shalt  }
.Lfunc_end2:
_tile_overlayer_lowered:
.L_overlay_start_2:
0x29: {  	(tag) =	ssettag $0x2  }
0x2a: {  	s0 =	rddreg [dreg:$0x0];
	s2 =	stileid.u32  }
0x2b: {  	s1 =	rddreg [dreg:$0x1];
	p0 =	sne.s32 s2, $0x0  }
0x2c: {  	s3 =	rddreg [dreg:$0x2];
	[bflag:$0x3] =	sbarrier.arrive $0xFFFF;
	s2 =	simm.s32 @!p0 $0x1C02  }
0x2d: {  	[timem:s3], [sflag:s2] =	dma.local @!p0 [hbm:s0], s1  }
0x2e: {  	s0 =	simm.s32 @!p0 $0x2  }
0x2f: {  	_ =	swait.ge @!p0 [sflag:s0], s1  }
0x30: {  	s1 =	ssub.s32 @!p0 $0x0, s1;
	[sflag:s0] =	ssyncset.done @!p0 $0x0  }
0x31: {  	[sflag:s0] =	ssyncadd.s32 @!p0 s1  }
0x32: {  	[bflag:$0x3] =	sbarrier.arrive $0xFFFF  }
0x33: {  	_ =	shalt  }

</sc_bundles>
